<compile_context>
chip_gen: v7x
topology: tpu7x:2x2x1
jax: 0.10.2.dev20260603
libtpu: 0.0.44.dev20260713+nightly
codegen_flags: <defaults>
</compile_context>

<pallas_src>
import jax
import jax.numpy as jnp
from jax import lax
from jax.experimental import pallas as pl
from jax.experimental.pallas import tpu as pltpu
from jax.experimental.pallas import tpu_sc as plsc

MAXLEN = 200
EMBED_DIM = 64
BATCH = 4096

NC = 2
NS = 16
NW = NC * NS

ROWS = BATCH * MAXLEN
PER_W = ROWS // NW
CHUNK = 400
NCHUNK = PER_W // CHUNK
NSUB = 5
SUB = CHUNK // NSUB
NSLOT = 3


def _body(x_hbm, tok_hbm, pos_hbm, out_hbm,
          shared_pos, idx_all, rows0, rows1, rows2,
          psem0, psem1, psem2, gsem0, gsem1, gsem2, osem0, osem1, osem2):
    wid = lax.axis_index("s") * NC + lax.axis_index("c")
    rows = (rows0, rows1, rows2)
    psem = (psem0, psem1, psem2)
    gsem = (gsem0, gsem1, gsem2)
    osem = (osem0, osem1, osem2)

    @pl.when(lax.axis_index("s") == 0)
    def _stage_pos():
        pltpu.sync_copy(pos_hbm, rows0.at[pl.ds(0, MAXLEN)])
        pltpu.sync_copy(rows0.at[pl.ds(0, MAXLEN)], shared_pos.at[pl.ds(0, MAXLEN)])
        pltpu.sync_copy(rows0.at[pl.ds(0, MAXLEN)], shared_pos.at[pl.ds(MAXLEN, MAXLEN)])
    plsc.subcore_barrier()

    pltpu.sync_copy(x_hbm.at[pl.ds(wid * NCHUNK * NSUB, NCHUNK * NSUB)], idx_all)

    def fire_prep(b):
        pltpu.async_copy(shared_pos, rows[b], psem[b])

    def wait_prep(b):
        pltpu.make_async_copy(shared_pos, rows[b], psem[b]).wait()

    def fire_gathers(c, b):
        for j in range(NSUB):
            pltpu.async_copy(
                tok_hbm.at[idx_all.at[c * NSUB + j]],
                rows[b].at[pl.ds(j * SUB, SUB)],
                gsem[b],
                add=True,
            )

    def wait_gathers(b):
        pltpu.make_async_copy(out_hbm.at[pl.ds(0, CHUNK)], rows[b], gsem[b]).wait()

    def fire_scatter(c, b):
        pltpu.async_copy(rows[b], out_hbm.at[pl.ds(wid * PER_W + c * CHUNK, CHUNK)], osem[b])

    def wait_scatter(b):
        pltpu.make_async_copy(out_hbm.at[pl.ds(0, CHUNK)], rows[b], osem[b]).wait()

    def step(c, b, *, do_gather=True, drain_b2=True, do_prep=True):
        b1, b2 = (b + 1) % NSLOT, (b + 2) % NSLOT
        wait_gathers(b)
        fire_scatter(c, b)
        if do_gather:
            wait_prep(b1)
            fire_gathers(c + 1, b1)
        if drain_b2:
            wait_scatter(b2)
        if do_prep:
            fire_prep(b2)

    fire_prep(0)
    fire_prep(1)
    wait_prep(0)
    fire_gathers(0, 0)
    step(0, 0, drain_b2=False)
    step(1, 1)
    step(2, 2)

    @pl.loop(1, (NCHUNK - 4) // NSLOT)
    def _g(g):
        c0 = g * NSLOT
        step(c0 + 0, 0)
        step(c0 + 1, 1)
        step(c0 + 2, 2)

    step(NCHUNK - 4, 0)
    step(NCHUNK - 3, 1)
    step(NCHUNK - 2, 2, do_prep=False)
    step(NCHUNK - 1, 0, do_gather=False, drain_b2=False, do_prep=False)
    wait_scatter(2)
    wait_scatter(0)


@jax.jit
def _run(x, token_table, pos_table):
    x_flat = x.astype(jnp.int32).reshape(ROWS // SUB, SUB)
    mesh = plsc.VectorSubcoreMesh(core_axis_name="c", subcore_axis_name="s")
    f = pl.kernel(
        _body,
        out_type=jax.ShapeDtypeStruct((ROWS, EMBED_DIM), jnp.float32),
        mesh=mesh,
        scratch_types=(
            [pltpu.VMEM_SHARED((CHUNK, EMBED_DIM), jnp.float32)]
            + [pltpu.VMEM((NCHUNK * NSUB, SUB), jnp.int32)]
            + [pltpu.VMEM((CHUNK, EMBED_DIM), jnp.float32) for _ in range(NSLOT)]
            + [pltpu.SemaphoreType.DMA for _ in range(3 * NSLOT)]
        ),
        compiler_params=pltpu.CompilerParams(use_tc_tiling_on_sc=False),
    )
    out = f(x_flat, token_table, pos_table)
    return out.reshape(BATCH, MAXLEN, EMBED_DIM)


def kernel(x, token_table, pos_table):
    return _run(x, token_table, pos_table)

# --- scband reference (transcript-rebuilt; emitter-appended) ---
"""Pipeline reference for scband-token-and-position-embedding-26130581029050 (READ-ONLY COPY).

The authoritative reference and input builder live on the scoring server;
editing this copy changes nothing except your own understanding.
"""

import jax, jax.numpy as jnp
import numpy as np

MAXLEN = 200
VOCAB_SIZE = 1000000
EMBED_DIM = 64
BATCH = 4096

def setup_inputs(seed: int = 0) -> dict:
    key = jax.random.key(seed)
    k1, k2, k3 = jax.random.split(key, 3)
    x = jax.random.randint(k1, (BATCH, MAXLEN), 0, VOCAB_SIZE, dtype=jnp.int64 if jax.config.jax_enable_x64 else jnp.int32)
    token_table = jax.random.normal(k2, (VOCAB_SIZE, EMBED_DIM), dtype=jnp.float32) * 0.02
    pos_table = jax.random.normal(k3, (MAXLEN, EMBED_DIM), dtype=jnp.float32) * 0.02
    return {"x": x, "token_table": token_table, "pos_table": pos_table}

def reference(x, token_table, pos_table):
    # positions = range(0, seq_len)
    seq_len = x.shape[-1]
    positions = jnp.arange(seq_len)
    pos_emb = jnp.take(pos_table, positions, axis=0)          # [L, D]
    tok_emb = jnp.take(token_table, x, axis=0)                # [B, L, D]
    return tok_emb + pos_emb[None, :, :]

if __name__ == "__main__":
    import jax
    _d = setup_inputs()
    print(jax.jit(kernel)(*tuple(_d.values())))

</pallas_src>

<mosaic_0001>
#map = affine_map<(d0, d1) -> (0, 0)>
module attributes {stable_mosaic.version = 14 : i64} {
  func.func @_body(%arg0: i32, %arg1: i32, %arg2: memref<10240x80xi32, #tpu.memory_space<hbm>>, %arg3: memref<1000000x64xf32, #tpu.memory_space<hbm>>, %arg4: memref<200x64xf32, #tpu.memory_space<hbm>>, %arg5: memref<819200x64xf32, #tpu.memory_space<hbm>>, %arg6: memref<400x64xf32, #tpu.memory_space<vmem_shared>>, %arg7: memref<320x80xi32, #tpu.memory_space<vmem>>, %arg8: memref<400x64xf32, #tpu.memory_space<vmem>>, %arg9: memref<400x64xf32, #tpu.memory_space<vmem>>, %arg10: memref<400x64xf32, #tpu.memory_space<vmem>>, %arg11: memref<!tpu.dma_semaphore, #tpu.memory_space<semaphore_mem>>, %arg12: memref<!tpu.dma_semaphore, #tpu.memory_space<semaphore_mem>>, %arg13: memref<!tpu.dma_semaphore, #tpu.memory_space<semaphore_mem>>, %arg14: memref<!tpu.dma_semaphore, #tpu.memory_space<semaphore_mem>>, %arg15: memref<!tpu.dma_semaphore, #tpu.memory_space<semaphore_mem>>, %arg16: memref<!tpu.dma_semaphore, #tpu.memory_space<semaphore_mem>>, %arg17: memref<!tpu.dma_semaphore, #tpu.memory_space<semaphore_mem>>, %arg18: memref<!tpu.dma_semaphore, #tpu.memory_space<semaphore_mem>>, %arg19: memref<!tpu.dma_semaphore, #tpu.memory_space<semaphore_mem>>) attributes {dimension_semantics = [#tpu.dimension_semantics<core_parallel>, #tpu.dimension_semantics<subcore_parallel>], iteration_bounds = array<i64: 2, 16>, scalar_prefetch = 0 : i64, scratch_operands = 14 : i64, tpu.core_type = #tpu.core_type<sc_vector_subcore>, window_params = [{transform_indices = #map}, {transform_indices = #map}, {transform_indices = #map}, {transform_indices = #map}]} {
    %mul3A = arith.constant 2 : i32
    %mul3A_0 = arith.muli %arg1, %mul3A : i32
    %add3A = arith.addi %mul3A_0, %arg0 : i32
    %eq3A = arith.constant 0 : i32
    %eq3A_1 = arith.cmpi eq, %arg1, %eq3A : i32
    %convert_element_type3A = arith.extui %eq3A_1 : i1 to i32
    %cond3A = arith.constant 0 : i32
    %cond3A_2 = arith.cmpi ne, %convert_element_type3A, %cond3A : i32
    scf.if %cond3A_2 {
      "tpu.region"() ({
        %run_scoped3A = tpu.sem_alloc : memref<!tpu.dma_semaphore, #tpu.memory_space<semaphore_mem>>
        %dma_start3A_499 = arith.constant 0 : i32
        %dma_start3A_500 = arith.constant 0 : i32
        %dma_start3A_501 = tpu.memref_slice %arg8[%dma_start3A_499, %dma_start3A_500] : memref<400x64xf32, #tpu.memory_space<vmem>> -> memref<200x64xf32, #tpu.memory_space<vmem>>
        %dma_start3A_502 = arith.constant 0 : i32
        %dma_start3A_503 = arith.constant 0 : i32
        %dma_start3A_504 = tpu.memref_slice %arg8[%dma_start3A_502, %dma_start3A_503] : memref<400x64xf32, #tpu.memory_space<vmem>> -> memref<200x64xf32, #tpu.memory_space<vmem>>
        tpu.enqueue_dma source(%arg4 : memref<200x64xf32, #tpu.memory_space<hbm>>) target(%dma_start3A_504 : memref<200x64xf32, #tpu.memory_space<vmem>>) target_semaphore(%run_scoped3A : memref<!tpu.dma_semaphore, #tpu.memory_space<semaphore_mem>>)
        %dma_wait3A_505 = arith.constant 0 : i32
        %dma_wait3A_506 = arith.constant 0 : i32
        %dma_wait3A_507 = tpu.memref_slice %arg8[%dma_wait3A_505, %dma_wait3A_506] : memref<400x64xf32, #tpu.memory_space<vmem>> -> memref<200x64xf32, #tpu.memory_space<vmem>>
        %dma_wait3A_508 = arith.constant 0 : i32
        %dma_wait3A_509 = arith.constant 0 : i32
        %dma_wait3A_510 = tpu.memref_slice %arg8[%dma_wait3A_508, %dma_wait3A_509] : memref<400x64xf32, #tpu.memory_space<vmem>> -> memref<200x64xf32, #tpu.memory_space<vmem>>
        tpu.wait_dma2 semaphore(%run_scoped3A : memref<!tpu.dma_semaphore, #tpu.memory_space<semaphore_mem>>) src(%arg4 : memref<200x64xf32, #tpu.memory_space<hbm>>) dst(%dma_wait3A_510 : memref<200x64xf32, #tpu.memory_space<vmem>>)
        tpu.yield
      }) : () -> ()
      "tpu.region"() ({
        %run_scoped3A = tpu.sem_alloc : memref<!tpu.dma_semaphore, #tpu.memory_space<semaphore_mem>>
        %dma_start3A_499 = arith.constant 0 : i32
        %dma_start3A_500 = arith.constant 0 : i32
        %dma_start3A_501 = tpu.memref_slice %arg8[%dma_start3A_499, %dma_start3A_500] : memref<400x64xf32, #tpu.memory_space<vmem>> -> memref<200x64xf32, #tpu.memory_space<vmem>>
        %dma_start3A_502 = arith.constant 0 : i32
        %dma_start3A_503 = arith.constant 0 : i32
        %dma_start3A_504 = tpu.memref_slice %arg6[%dma_start3A_502, %dma_start3A_503] : memref<400x64xf32, #tpu.memory_space<vmem_shared>> -> memref<200x64xf32, #tpu.memory_space<vmem_shared>>
        %dma_start3A_505 = arith.constant 0 : i32
        %dma_start3A_506 = arith.constant 0 : i32
        %dma_start3A_507 = tpu.memref_slice %arg6[%dma_start3A_505, %dma_start3A_506] : memref<400x64xf32, #tpu.memory_space<vmem_shared>> -> memref<200x64xf32, #tpu.memory_space<vmem_shared>>
        %dma_start3A_508 = arith.constant 0 : i32
        %dma_start3A_509 = arith.constant 0 : i32
        %dma_start3A_510 = tpu.memref_slice %arg8[%dma_start3A_508, %dma_start3A_509] : memref<400x64xf32, #tpu.memory_space<vmem>> -> memref<200x64xf32, #tpu.memory_space<vmem>>
        tpu.enqueue_dma source(%dma_start3A_510 : memref<200x64xf32, #tpu.memory_space<vmem>>) target(%dma_start3A_507 : memref<200x64xf32, #tpu.memory_space<vmem_shared>>) target_semaphore(%run_scoped3A : memref<!tpu.dma_semaphore, #tpu.memory_space<semaphore_mem>>)
        %dma_wait3A_511 = arith.constant 0 : i32
        %dma_wait3A_512 = arith.constant 0 : i32
        %dma_wait3A_513 = tpu.memref_slice %arg8[%dma_wait3A_511, %dma_wait3A_512] : memref<400x64xf32, #tpu.memory_space<vmem>> -> memref<200x64xf32, #tpu.memory_space<vmem>>
        %dma_wait3A_514 = arith.constant 0 : i32
        %dma_wait3A_515 = arith.constant 0 : i32
        %dma_wait3A_516 = tpu.memref_slice %arg6[%dma_wait3A_514, %dma_wait3A_515] : memref<400x64xf32, #tpu.memory_space<vmem_shared>> -> memref<200x64xf32, #tpu.memory_space<vmem_shared>>
        %dma_wait3A_517 = arith.constant 0 : i32
        %dma_wait3A_518 = arith.constant 0 : i32
        %dma_wait3A_519 = tpu.memref_slice %arg6[%dma_wait3A_517, %dma_wait3A_518] : memref<400x64xf32, #tpu.memory_space<vmem_shared>> -> memref<200x64xf32, #tpu.memory_space<vmem_shared>>
        %dma_wait3A_520 = arith.constant 0 : i32
        %dma_wait3A_521 = arith.constant 0 : i32
        %dma_wait3A_522 = tpu.memref_slice %arg8[%dma_wait3A_520, %dma_wait3A_521] : memref<400x64xf32, #tpu.memory_space<vmem>> -> memref<200x64xf32, #tpu.memory_space<vmem>>
        tpu.wait_dma2 semaphore(%run_scoped3A : memref<!tpu.dma_semaphore, #tpu.memory_space<semaphore_mem>>) src(%dma_wait3A_522 : memref<200x64xf32, #tpu.memory_space<vmem>>) dst(%dma_wait3A_519 : memref<200x64xf32, #tpu.memory_space<vmem_shared>>)
        tpu.yield
      }) : () -> ()
      "tpu.region"() ({
        %run_scoped3A = tpu.sem_alloc : memref<!tpu.dma_semaphore, #tpu.memory_space<semaphore_mem>>
        %dma_start3A_499 = arith.constant 0 : i32
        %dma_start3A_500 = arith.constant 0 : i32
        %dma_start3A_501 = tpu.memref_slice %arg8[%dma_start3A_499, %dma_start3A_500] : memref<400x64xf32, #tpu.memory_space<vmem>> -> memref<200x64xf32, #tpu.memory_space<vmem>>
        %dma_start3A_502 = arith.constant 200 : i32
        %dma_start3A_503 = arith.constant 0 : i32
        %dma_start3A_504 = tpu.memref_slice %arg6[%dma_start3A_502, %dma_start3A_503] : memref<400x64xf32, #tpu.memory_space<vmem_shared>> -> memref<200x64xf32, #tpu.memory_space<vmem_shared>>
        %dma_start3A_505 = arith.constant 200 : i32
        %dma_start3A_506 = arith.constant 0 : i32
        %dma_start3A_507 = tpu.memref_slice %arg6[%dma_start3A_505, %dma_start3A_506] : memref<400x64xf32, #tpu.memory_space<vmem_shared>> -> memref<200x64xf32, #tpu.memory_space<vmem_shared>>
        %dma_start3A_508 = arith.constant 0 : i32
        %dma_start3A_509 = arith.constant 0 : i32
        %dma_start3A_510 = tpu.memref_slice %arg8[%dma_start3A_508, %dma_start3A_509] : memref<400x64xf32, #tpu.memory_space<vmem>> -> memref<200x64xf32, #tpu.memory_space<vmem>>
        tpu.enqueue_dma source(%dma_start3A_510 : memref<200x64xf32, #tpu.memory_space<vmem>>) target(%dma_start3A_507 : memref<200x64xf32, #tpu.memory_space<vmem_shared>>) target_semaphore(%run_scoped3A : memref<!tpu.dma_semaphore, #tpu.memory_space<semaphore_mem>>)
        %dma_wait3A_511 = arith.constant 0 : i32
        %dma_wait3A_512 = arith.constant 0 : i32
        %dma_wait3A_513 = tpu.memref_slice %arg8[%dma_wait3A_511, %dma_wait3A_512] : memref<400x64xf32, #tpu.memory_space<vmem>> -> memref<200x64xf32, #tpu.memory_space<vmem>>
        %dma_wait3A_514 = arith.constant 200 : i32
        %dma_wait3A_515 = arith.constant 0 : i32
        %dma_wait3A_516 = tpu.memref_slice %arg6[%dma_wait3A_514, %dma_wait3A_515] : memref<400x64xf32, #tpu.memory_space<vmem_shared>> -> memref<200x64xf32, #tpu.memory_space<vmem_shared>>
        %dma_wait3A_517 = arith.constant 200 : i32
        %dma_wait3A_518 = arith.constant 0 : i32
        %dma_wait3A_519 = tpu.memref_slice %arg6[%dma_wait3A_517, %dma_wait3A_518] : memref<400x64xf32, #tpu.memory_space<vmem_shared>> -> memref<200x64xf32, #tpu.memory_space<vmem_shared>>
        %dma_wait3A_520 = arith.constant 0 : i32
        %dma_wait3A_521 = arith.constant 0 : i32
        %dma_wait3A_522 = tpu.memref_slice %arg8[%dma_wait3A_520, %dma_wait3A_521] : memref<400x64xf32, #tpu.memory_space<vmem>> -> memref<200x64xf32, #tpu.memory_space<vmem>>
        tpu.wait_dma2 semaphore(%run_scoped3A : memref<!tpu.dma_semaphore, #tpu.memory_space<semaphore_mem>>) src(%dma_wait3A_522 : memref<200x64xf32, #tpu.memory_space<vmem>>) dst(%dma_wait3A_519 : memref<200x64xf32, #tpu.memory_space<vmem_shared>>)
        tpu.yield
      }) : () -> ()
    } else {
    }
    %barrier3A = arith.constant 0 : index
    tpu.barrier barrier_id(%barrier3A)
    %mul3A_3 = arith.constant 64 : i32
    %mul3A_4 = arith.muli %add3A, %mul3A_3 : i32
    %mul3A_5 = arith.constant 5 : i32
    %mul3A_6 = arith.muli %mul3A_4, %mul3A_5 : i32
    "tpu.region"() ({
      %run_scoped3A = tpu.sem_alloc : memref<!tpu.dma_semaphore, #tpu.memory_space<semaphore_mem>>
      %dma_start3A_499 = arith.constant 0 : i32
      %dma_start3A_500 = tpu.memref_slice %arg2[%mul3A_6, %dma_start3A_499] : memref<10240x80xi32, #tpu.memory_space<hbm>> -> memref<320x80xi32, #tpu.memory_space<hbm>>
      %dma_start3A_501 = arith.constant 0 : i32
      %dma_start3A_502 = tpu.memref_slice %arg2[%mul3A_6, %dma_start3A_501] : memref<10240x80xi32, #tpu.memory_space<hbm>> -> memref<320x80xi32, #tpu.memory_space<hbm>>
      tpu.enqueue_dma source(%dma_start3A_502 : memref<320x80xi32, #tpu.memory_space<hbm>>) target(%arg7 : memref<320x80xi32, #tpu.memory_space<vmem>>) target_semaphore(%run_scoped3A : memref<!tpu.dma_semaphore, #tpu.memory_space<semaphore_mem>>)
      %dma_wait3A_503 = arith.constant 0 : i32
      %dma_wait3A_504 = tpu.memref_slice %arg2[%mul3A_6, %dma_wait3A_503] : memref<10240x80xi32, #tpu.memory_space<hbm>> -> memref<320x80xi32, #tpu.memory_space<hbm>>
      %dma_wait3A_505 = arith.constant 0 : i32
      %dma_wait3A_506 = tpu.memref_slice %arg2[%mul3A_6, %dma_wait3A_505] : memref<10240x80xi32, #tpu.memory_space<hbm>> -> memref<320x80xi32, #tpu.memory_space<hbm>>
      tpu.wait_dma2 semaphore(%run_scoped3A : memref<!tpu.dma_semaphore, #tpu.memory_space<semaphore_mem>>) src(%dma_wait3A_506 : memref<320x80xi32, #tpu.memory_space<hbm>>) dst(%arg7 : memref<320x80xi32, #tpu.memory_space<vmem>>)
      tpu.yield
    }) : () -> ()
    tpu.enqueue_dma source(%arg6 : memref<400x64xf32, #tpu.memory_space<vmem_shared>>) target(%arg8 : memref<400x64xf32, #tpu.memory_space<vmem>>) target_semaphore(%arg11 : memref<!tpu.dma_semaphore, #tpu.memory_space<semaphore_mem>>)
    tpu.enqueue_dma source(%arg6 : memref<400x64xf32, #tpu.memory_space<vmem_shared>>) target(%arg9 : memref<400x64xf32, #tpu.memory_space<vmem>>) target_semaphore(%arg12 : memref<!tpu.dma_semaphore, #tpu.memory_space<semaphore_mem>>)
    tpu.wait_dma2 semaphore(%arg11 : memref<!tpu.dma_semaphore, #tpu.memory_space<semaphore_mem>>) src(%arg6 : memref<400x64xf32, #tpu.memory_space<vmem_shared>>) dst(%arg8 : memref<400x64xf32, #tpu.memory_space<vmem>>)
    %dma_start3A = arith.constant 0 : i32
    %dma_start3A_7 = arith.constant 0 : i32
    %dma_start3A_8 = arith.constant 0 : i32
    %dma_start3A_9 = tpu.memref_slice %arg8[%dma_start3A_7, %dma_start3A_8] : memref<400x64xf32, #tpu.memory_space<vmem>> -> memref<80x64xf32, #tpu.memory_space<vmem>>
    %dma_start3A_10 = arith.constant 0 : i32
    %dma_start3A_11 = tpu.memref_slice %arg7[%dma_start3A, %dma_start3A_10] : memref<320x80xi32, #tpu.memory_space<vmem>> -> memref<1x80xi32, #tpu.memory_space<vmem>>
    %dma_start3A_12 = tpu.memref_squeeze %dma_start3A_11 : memref<1x80xi32, #tpu.memory_space<vmem>> -> memref<80xi32, #tpu.memory_space<vmem>>
    %dma_start3A_13 = arith.constant 0 : i32
    %dma_start3A_14 = arith.constant 0 : i32
    %dma_start3A_15 = tpu.memref_slice %arg3[%dma_start3A_13, %dma_start3A_14] : memref<1000000x64xf32, #tpu.memory_space<hbm>> -> memref<1000000x64xf32, #tpu.memory_space<hbm>>
    tpu.enqueue_indirect_dma source(%dma_start3A_15 : memref<1000000x64xf32, #tpu.memory_space<hbm>>) target(%dma_start3A_9 : memref<80x64xf32, #tpu.memory_space<vmem>>) offsets(%dma_start3A_12 : memref<80xi32, #tpu.memory_space<vmem>>) semaphore(%arg14 : memref<!tpu.dma_semaphore, #tpu.memory_space<semaphore_mem>>) {add = true}
    %dma_start3A_16 = arith.constant 1 : i32
    %dma_start3A_17 = arith.constant 80 : i32
    %dma_start3A_18 = arith.constant 0 : i32
    %dma_start3A_19 = tpu.memref_slice %arg8[%dma_start3A_17, %dma_start3A_18] : memref<400x64xf32, #tpu.memory_space<vmem>> -> memref<80x64xf32, #tpu.memory_space<vmem>>
    %dma_start3A_20 = arith.constant 0 : i32
    %dma_start3A_21 = tpu.memref_slice %arg7[%dma_start3A_16, %dma_start3A_20] : memref<320x80xi32, #tpu.memory_space<vmem>> -> memref<1x80xi32, #tpu.memory_space<vmem>>
    %dma_start3A_22 = tpu.memref_squeeze %dma_start3A_21 : memref<1x80xi32, #tpu.memory_space<vmem>> -> memref<80xi32, #tpu.memory_space<vmem>>
    %dma_start3A_23 = arith.constant 0 : i32
    %dma_start3A_24 = arith.constant 0 : i32
    %dma_start3A_25 = tpu.memref_slice %arg3[%dma_start3A_23, %dma_start3A_24] : memref<1000000x64xf32, #tpu.memory_space<hbm>> -> memref<1000000x64xf32, #tpu.memory_space<hbm>>
    tpu.enqueue_indirect_dma source(%dma_start3A_25 : memref<1000000x64xf32, #tpu.memory_space<hbm>>) target(%dma_start3A_19 : memref<80x64xf32, #tpu.memory_space<vmem>>) offsets(%dma_start3A_22 : memref<80xi32, #tpu.memory_space<vmem>>) semaphore(%arg14 : memref<!tpu.dma_semaphore, #tpu.memory_space<semaphore_mem>>) {add = true}
    %dma_start3A_26 = arith.constant 2 : i32
    %dma_start3A_27 = arith.constant 160 : i32
    %dma_start3A_28 = arith.constant 0 : i32
    %dma_start3A_29 = tpu.memref_slice %arg8[%dma_start3A_27, %dma_start3A_28] : memref<400x64xf32, #tpu.memory_space<vmem>> -> memref<80x64xf32, #tpu.memory_space<vmem>>
    %dma_start3A_30 = arith.constant 0 : i32
    %dma_start3A_31 = tpu.memref_slice %arg7[%dma_start3A_26, %dma_start3A_30] : memref<320x80xi32, #tpu.memory_space<vmem>> -> memref<1x80xi32, #tpu.memory_space<vmem>>
    %dma_start3A_32 = tpu.memref_squeeze %dma_start3A_31 : memref<1x80xi32, #tpu.memory_space<vmem>> -> memref<80xi32, #tpu.memory_space<vmem>>
    %dma_start3A_33 = arith.constant 0 : i32
    %dma_start3A_34 = arith.constant 0 : i32
    %dma_start3A_35 = tpu.memref_slice %arg3[%dma_start3A_33, %dma_start3A_34] : memref<1000000x64xf32, #tpu.memory_space<hbm>> -> memref<1000000x64xf32, #tpu.memory_space<hbm>>
    tpu.enqueue_indirect_dma source(%dma_start3A_35 : memref<1000000x64xf32, #tpu.memory_space<hbm>>) target(%dma_start3A_29 : memref<80x64xf32, #tpu.memory_space<vmem>>) offsets(%dma_start3A_32 : memref<80xi32, #tpu.memory_space<vmem>>) semaphore(%arg14 : memref<!tpu.dma_semaphore, #tpu.memory_space<semaphore_mem>>) {add = true}
    %dma_start3A_36 = arith.constant 3 : i32
    %dma_start3A_37 = arith.constant 240 : i32
    %dma_start3A_38 = arith.constant 0 : i32
    %dma_start3A_39 = tpu.memref_slice %arg8[%dma_start3A_37, %dma_start3A_38] : memref<400x64xf32, #tpu.memory_space<vmem>> -> memref<80x64xf32, #tpu.memory_space<vmem>>
    %dma_start3A_40 = arith.constant 0 : i32
    %dma_start3A_41 = tpu.memref_slice %arg7[%dma_start3A_36, %dma_start3A_40] : memref<320x80xi32, #tpu.memory_space<vmem>> -> memref<1x80xi32, #tpu.memory_space<vmem>>
    %dma_start3A_42 = tpu.memref_squeeze %dma_start3A_41 : memref<1x80xi32, #tpu.memory_space<vmem>> -> memref<80xi32, #tpu.memory_space<vmem>>
    %dma_start3A_43 = arith.constant 0 : i32
    %dma_start3A_44 = arith.constant 0 : i32
    %dma_start3A_45 = tpu.memref_slice %arg3[%dma_start3A_43, %dma_start3A_44] : memref<1000000x64xf32, #tpu.memory_space<hbm>> -> memref<1000000x64xf32, #tpu.memory_space<hbm>>
    tpu.enqueue_indirect_dma source(%dma_start3A_45 : memref<1000000x64xf32, #tpu.memory_space<hbm>>) target(%dma_start3A_39 : memref<80x64xf32, #tpu.memory_space<vmem>>) offsets(%dma_start3A_42 : memref<80xi32, #tpu.memory_space<vmem>>) semaphore(%arg14 : memref<!tpu.dma_semaphore, #tpu.memory_space<semaphore_mem>>) {add = true}
    %dma_start3A_46 = arith.constant 4 : i32
    %dma_start3A_47 = arith.constant 320 : i32
    %dma_start3A_48 = arith.constant 0 : i32
    %dma_start3A_49 = tpu.memref_slice %arg8[%dma_start3A_47, %dma_start3A_48] : memref<400x64xf32, #tpu.memory_space<vmem>> -> memref<80x64xf32, #tpu.memory_space<vmem>>
    %dma_start3A_50 = arith.constant 0 : i32
    %dma_start3A_51 = tpu.memref_slice %arg7[%dma_start3A_46, %dma_start3A_50] : memref<320x80xi32, #tpu.memory_space<vmem>> -> memref<1x80xi32, #tpu.memory_space<vmem>>
    %dma_start3A_52 = tpu.memref_squeeze %dma_start3A_51 : memref<1x80xi32, #tpu.memory_space<vmem>> -> memref<80xi32, #tpu.memory_space<vmem>>
    %dma_start3A_53 = arith.constant 0 : i32
    %dma_start3A_54 = arith.constant 0 : i32
    %dma_start3A_55 = tpu.memref_slice %arg3[%dma_start3A_53, %dma_start3A_54] : memref<1000000x64xf32, #tpu.memory_space<hbm>> -> memref<1000000x64xf32, #tpu.memory_space<hbm>>
    tpu.enqueue_indirect_dma source(%dma_start3A_55 : memref<1000000x64xf32, #tpu.memory_space<hbm>>) target(%dma_start3A_49 : memref<80x64xf32, #tpu.memory_space<vmem>>) offsets(%dma_start3A_52 : memref<80xi32, #tpu.memory_space<vmem>>) semaphore(%arg14 : memref<!tpu.dma_semaphore, #tpu.memory_space<semaphore_mem>>) {add = true}
    %dma_wait3A = arith.constant 0 : i32
    %dma_wait3A_56 = arith.constant 0 : i32
    %dma_wait3A_57 = tpu.memref_slice %arg5[%dma_wait3A, %dma_wait3A_56] : memref<819200x64xf32, #tpu.memory_space<hbm>> -> memref<400x64xf32, #tpu.memory_space<hbm>>
    %dma_wait3A_58 = arith.constant 0 : i32
    %dma_wait3A_59 = arith.constant 0 : i32
    %dma_wait3A_60 = tpu.memref_slice %arg5[%dma_wait3A_58, %dma_wait3A_59] : memref<819200x64xf32, #tpu.memory_space<hbm>> -> memref<400x64xf32, #tpu.memory_space<hbm>>
    tpu.wait_dma2 semaphore(%arg14 : memref<!tpu.dma_semaphore, #tpu.memory_space<semaphore_mem>>) src(%dma_wait3A_60 : memref<400x64xf32, #tpu.memory_space<hbm>>) dst(%arg8 : memref<400x64xf32, #tpu.memory_space<vmem>>)
    %mul3A_61 = arith.constant 25600 : i32
    %mul3A_62 = arith.muli %add3A, %mul3A_61 : i32
    %add3A_63 = arith.constant 0 : i32
    %add3A_64 = arith.addi %mul3A_62, %add3A_63 : i32
    %dma_start3A_65 = arith.constant 0 : i32
    %dma_start3A_66 = tpu.memref_slice %arg5[%add3A_64, %dma_start3A_65] : memref<819200x64xf32, #tpu.memory_space<hbm>> -> memref<400x64xf32, #tpu.memory_space<hbm>>
    %dma_start3A_67 = arith.constant 0 : i32
    %dma_start3A_68 = tpu.memref_slice %arg5[%add3A_64, %dma_start3A_67] : memref<819200x64xf32, #tpu.memory_space<hbm>> -> memref<400x64xf32, #tpu.memory_space<hbm>>
    tpu.enqueue_dma source(%arg8 : memref<400x64xf32, #tpu.memory_space<vmem>>) target(%dma_start3A_68 : memref<400x64xf32, #tpu.memory_space<hbm>>) target_semaphore(%arg17 : memref<!tpu.dma_semaphore, #tpu.memory_space<semaphore_mem>>)
    tpu.wait_dma2 semaphore(%arg12 : memref<!tpu.dma_semaphore, #tpu.memory_space<semaphore_mem>>) src(%arg6 : memref<400x64xf32, #tpu.memory_space<vmem_shared>>) dst(%arg9 : memref<400x64xf32, #tpu.memory_space<vmem>>)
    %dma_start3A_69 = arith.constant 5 : i32
    %dma_start3A_70 = arith.constant 0 : i32
    %dma_start3A_71 = arith.constant 0 : i32
    %dma_start3A_72 = tpu.memref_slice %arg9[%dma_start3A_70, %dma_start3A_71] : memref<400x64xf32, #tpu.memory_space<vmem>> -> memref<80x64xf32, #tpu.memory_space<vmem>>
    %dma_start3A_73 = arith.constant 0 : i32
    %dma_start3A_74 = tpu.memref_slice %arg7[%dma_start3A_69, %dma_start3A_73] : memref<320x80xi32, #tpu.memory_space<vmem>> -> memref<1x80xi32, #tpu.memory_space<vmem>>
    %dma_start3A_75 = tpu.memref_squeeze %dma_start3A_74 : memref<1x80xi32, #tpu.memory_space<vmem>> -> memref<80xi32, #tpu.memory_space<vmem>>
    %dma_start3A_76 = arith.constant 0 : i32
    %dma_start3A_77 = arith.constant 0 : i32
    %dma_start3A_78 = tpu.memref_slice %arg3[%dma_start3A_76, %dma_start3A_77] : memref<1000000x64xf32, #tpu.memory_space<hbm>> -> memref<1000000x64xf32, #tpu.memory_space<hbm>>
    tpu.enqueue_indirect_dma source(%dma_start3A_78 : memref<1000000x64xf32, #tpu.memory_space<hbm>>) target(%dma_start3A_72 : memref<80x64xf32, #tpu.memory_space<vmem>>) offsets(%dma_start3A_75 : memref<80xi32, #tpu.memory_space<vmem>>) semaphore(%arg15 : memref<!tpu.dma_semaphore, #tpu.memory_space<semaphore_mem>>) {add = true}
    %dma_start3A_79 = arith.constant 6 : i32
    %dma_start3A_80 = arith.constant 80 : i32
    %dma_start3A_81 = arith.constant 0 : i32
    %dma_start3A_82 = tpu.memref_slice %arg9[%dma_start3A_80, %dma_start3A_81] : memref<400x64xf32, #tpu.memory_space<vmem>> -> memref<80x64xf32, #tpu.memory_space<vmem>>
    %dma_start3A_83 = arith.constant 0 : i32
    %dma_start3A_84 = tpu.memref_slice %arg7[%dma_start3A_79, %dma_start3A_83] : memref<320x80xi32, #tpu.memory_space<vmem>> -> memref<1x80xi32, #tpu.memory_space<vmem>>
    %dma_start3A_85 = tpu.memref_squeeze %dma_start3A_84 : memref<1x80xi32, #tpu.memory_space<vmem>> -> memref<80xi32, #tpu.memory_space<vmem>>
    %dma_start3A_86 = arith.constant 0 : i32
    %dma_start3A_87 = arith.constant 0 : i32
    %dma_start3A_88 = tpu.memref_slice %arg3[%dma_start3A_86, %dma_start3A_87] : memref<1000000x64xf32, #tpu.memory_space<hbm>> -> memref<1000000x64xf32, #tpu.memory_space<hbm>>
    tpu.enqueue_indirect_dma source(%dma_start3A_88 : memref<1000000x64xf32, #tpu.memory_space<hbm>>) target(%dma_start3A_82 : memref<80x64xf32, #tpu.memory_space<vmem>>) offsets(%dma_start3A_85 : memref<80xi32, #tpu.memory_space<vmem>>) semaphore(%arg15 : memref<!tpu.dma_semaphore, #tpu.memory_space<semaphore_mem>>) {add = true}
    %dma_start3A_89 = arith.constant 7 : i32
    %dma_start3A_90 = arith.constant 160 : i32
    %dma_start3A_91 = arith.constant 0 : i32
    %dma_start3A_92 = tpu.memref_slice %arg9[%dma_start3A_90, %dma_start3A_91] : memref<400x64xf32, #tpu.memory_space<vmem>> -> memref<80x64xf32, #tpu.memory_space<vmem>>
    %dma_start3A_93 = arith.constant 0 : i32
    %dma_start3A_94 = tpu.memref_slice %arg7[%dma_start3A_89, %dma_start3A_93] : memref<320x80xi32, #tpu.memory_space<vmem>> -> memref<1x80xi32, #tpu.memory_space<vmem>>
    %dma_start3A_95 = tpu.memref_squeeze %dma_start3A_94 : memref<1x80xi32, #tpu.memory_space<vmem>> -> memref<80xi32, #tpu.memory_space<vmem>>
    %dma_start3A_96 = arith.constant 0 : i32
    %dma_start3A_97 = arith.constant 0 : i32
    %dma_start3A_98 = tpu.memref_slice %arg3[%dma_start3A_96, %dma_start3A_97] : memref<1000000x64xf32, #tpu.memory_space<hbm>> -> memref<1000000x64xf32, #tpu.memory_space<hbm>>
    tpu.enqueue_indirect_dma source(%dma_start3A_98 : memref<1000000x64xf32, #tpu.memory_space<hbm>>) target(%dma_start3A_92 : memref<80x64xf32, #tpu.memory_space<vmem>>) offsets(%dma_start3A_95 : memref<80xi32, #tpu.memory_space<vmem>>) semaphore(%arg15 : memref<!tpu.dma_semaphore, #tpu.memory_space<semaphore_mem>>) {add = true}
    %dma_start3A_99 = arith.constant 8 : i32
    %dma_start3A_100 = arith.constant 240 : i32
    %dma_start3A_101 = arith.constant 0 : i32
    %dma_start3A_102 = tpu.memref_slice %arg9[%dma_start3A_100, %dma_start3A_101] : memref<400x64xf32, #tpu.memory_space<vmem>> -> memref<80x64xf32, #tpu.memory_space<vmem>>
    %dma_start3A_103 = arith.constant 0 : i32
    %dma_start3A_104 = tpu.memref_slice %arg7[%dma_start3A_99, %dma_start3A_103] : memref<320x80xi32, #tpu.memory_space<vmem>> -> memref<1x80xi32, #tpu.memory_space<vmem>>
    %dma_start3A_105 = tpu.memref_squeeze %dma_start3A_104 : memref<1x80xi32, #tpu.memory_space<vmem>> -> memref<80xi32, #tpu.memory_space<vmem>>
    %dma_start3A_106 = arith.constant 0 : i32
    %dma_start3A_107 = arith.constant 0 : i32
    %dma_start3A_108 = tpu.memref_slice %arg3[%dma_start3A_106, %dma_start3A_107] : memref<1000000x64xf32, #tpu.memory_space<hbm>> -> memref<1000000x64xf32, #tpu.memory_space<hbm>>
    tpu.enqueue_indirect_dma source(%dma_start3A_108 : memref<1000000x64xf32, #tpu.memory_space<hbm>>) target(%dma_start3A_102 : memref<80x64xf32, #tpu.memory_space<vmem>>) offsets(%dma_start3A_105 : memref<80xi32, #tpu.memory_space<vmem>>) semaphore(%arg15 : memref<!tpu.dma_semaphore, #tpu.memory_space<semaphore_mem>>) {add = true}
    %dma_start3A_109 = arith.constant 9 : i32
    %dma_start3A_110 = arith.constant 320 : i32
    %dma_start3A_111 = arith.constant 0 : i32
    %dma_start3A_112 = tpu.memref_slice %arg9[%dma_start3A_110, %dma_start3A_111] : memref<400x64xf32, #tpu.memory_space<vmem>> -> memref<80x64xf32, #tpu.memory_space<vmem>>
    %dma_start3A_113 = arith.constant 0 : i32
    %dma_start3A_114 = tpu.memref_slice %arg7[%dma_start3A_109, %dma_start3A_113] : memref<320x80xi32, #tpu.memory_space<vmem>> -> memref<1x80xi32, #tpu.memory_space<vmem>>
    %dma_start3A_115 = tpu.memref_squeeze %dma_start3A_114 : memref<1x80xi32, #tpu.memory_space<vmem>> -> memref<80xi32, #tpu.memory_space<vmem>>
    %dma_start3A_116 = arith.constant 0 : i32
    %dma_start3A_117 = arith.constant 0 : i32
    %dma_start3A_118 = tpu.memref_slice %arg3[%dma_start3A_116, %dma_start3A_117] : memref<1000000x64xf32, #tpu.memory_space<hbm>> -> memref<1000000x64xf32, #tpu.memory_space<hbm>>
    tpu.enqueue_indirect_dma source(%dma_start3A_118 : memref<1000000x64xf32, #tpu.memory_space<hbm>>) target(%dma_start3A_112 : memref<80x64xf32, #tpu.memory_space<vmem>>) offsets(%dma_start3A_115 : memref<80xi32, #tpu.memory_space<vmem>>) semaphore(%arg15 : memref<!tpu.dma_semaphore, #tpu.memory_space<semaphore_mem>>) {add = true}
    tpu.enqueue_dma source(%arg6 : memref<400x64xf32, #tpu.memory_space<vmem_shared>>) target(%arg10 : memref<400x64xf32, #tpu.memory_space<vmem>>) target_semaphore(%arg13 : memref<!tpu.dma_semaphore, #tpu.memory_space<semaphore_mem>>)
    %dma_wait3A_119 = arith.constant 0 : i32
    %dma_wait3A_120 = arith.constant 0 : i32
    %dma_wait3A_121 = tpu.memref_slice %arg5[%dma_wait3A_119, %dma_wait3A_120] : memref<819200x64xf32, #tpu.memory_space<hbm>> -> memref<400x64xf32, #tpu.memory_space<hbm>>
    %dma_wait3A_122 = arith.constant 0 : i32
    %dma_wait3A_123 = arith.constant 0 : i32
    %dma_wait3A_124 = tpu.memref_slice %arg5[%dma_wait3A_122, %dma_wait3A_123] : memref<819200x64xf32, #tpu.memory_space<hbm>> -> memref<400x64xf32, #tpu.memory_space<hbm>>
    tpu.wait_dma2 semaphore(%arg15 : memref<!tpu.dma_semaphore, #tpu.memory_space<semaphore_mem>>) src(%dma_wait3A_124 : memref<400x64xf32, #tpu.memory_space<hbm>>) dst(%arg9 : memref<400x64xf32, #tpu.memory_space<vmem>>)
    %mul3A_125 = arith.constant 25600 : i32
    %mul3A_126 = arith.muli %add3A, %mul3A_125 : i32
    %add3A_127 = arith.constant 400 : i32
    %add3A_128 = arith.addi %mul3A_126, %add3A_127 : i32
    %dma_start3A_129 = arith.constant 0 : i32
    %dma_start3A_130 = tpu.memref_slice %arg5[%add3A_128, %dma_start3A_129] : memref<819200x64xf32, #tpu.memory_space<hbm>> -> memref<400x64xf32, #tpu.memory_space<hbm>>
    %dma_start3A_131 = arith.constant 0 : i32
    %dma_start3A_132 = tpu.memref_slice %arg5[%add3A_128, %dma_start3A_131] : memref<819200x64xf32, #tpu.memory_space<hbm>> -> memref<400x64xf32, #tpu.memory_space<hbm>>
    tpu.enqueue_dma source(%arg9 : memref<400x64xf32, #tpu.memory_space<vmem>>) target(%dma_start3A_132 : memref<400x64xf32, #tpu.memory_space<hbm>>) target_semaphore(%arg18 : memref<!tpu.dma_semaphore, #tpu.memory_space<semaphore_mem>>)
    tpu.wait_dma2 semaphore(%arg13 : memref<!tpu.dma_semaphore, #tpu.memory_space<semaphore_mem>>) src(%arg6 : memref<400x64xf32, #tpu.memory_space<vmem_shared>>) dst(%arg10 : memref<400x64xf32, #tpu.memory_space<vmem>>)
    %dma_start3A_133 = arith.constant 10 : i32
    %dma_start3A_134 = arith.constant 0 : i32
    %dma_start3A_135 = arith.constant 0 : i32
    %dma_start3A_136 = tpu.memref_slice %arg10[%dma_start3A_134, %dma_start3A_135] : memref<400x64xf32, #tpu.memory_space<vmem>> -> memref<80x64xf32, #tpu.memory_space<vmem>>
    %dma_start3A_137 = arith.constant 0 : i32
    %dma_start3A_138 = tpu.memref_slice %arg7[%dma_start3A_133, %dma_start3A_137] : memref<320x80xi32, #tpu.memory_space<vmem>> -> memref<1x80xi32, #tpu.memory_space<vmem>>
    %dma_start3A_139 = tpu.memref_squeeze %dma_start3A_138 : memref<1x80xi32, #tpu.memory_space<vmem>> -> memref<80xi32, #tpu.memory_space<vmem>>
    %dma_start3A_140 = arith.constant 0 : i32
    %dma_start3A_141 = arith.constant 0 : i32
    %dma_start3A_142 = tpu.memref_slice %arg3[%dma_start3A_140, %dma_start3A_141] : memref<1000000x64xf32, #tpu.memory_space<hbm>> -> memref<1000000x64xf32, #tpu.memory_space<hbm>>
    tpu.enqueue_indirect_dma source(%dma_start3A_142 : memref<1000000x64xf32, #tpu.memory_space<hbm>>) target(%dma_start3A_136 : memref<80x64xf32, #tpu.memory_space<vmem>>) offsets(%dma_start3A_139 : memref<80xi32, #tpu.memory_space<vmem>>) semaphore(%arg16 : memref<!tpu.dma_semaphore, #tpu.memory_space<semaphore_mem>>) {add = true}
    %dma_start3A_143 = arith.constant 11 : i32
    %dma_start3A_144 = arith.constant 80 : i32
    %dma_start3A_145 = arith.constant 0 : i32
    %dma_start3A_146 = tpu.memref_slice %arg10[%dma_start3A_144, %dma_start3A_145] : memref<400x64xf32, #tpu.memory_space<vmem>> -> memref<80x64xf32, #tpu.memory_space<vmem>>
    %dma_start3A_147 = arith.constant 0 : i32
    %dma_start3A_148 = tpu.memref_slice %arg7[%dma_start3A_143, %dma_start3A_147] : memref<320x80xi32, #tpu.memory_space<vmem>> -> memref<1x80xi32, #tpu.memory_space<vmem>>
    %dma_start3A_149 = tpu.memref_squeeze %dma_start3A_148 : memref<1x80xi32, #tpu.memory_space<vmem>> -> memref<80xi32, #tpu.memory_space<vmem>>
    %dma_start3A_150 = arith.constant 0 : i32
    %dma_start3A_151 = arith.constant 0 : i32
    %dma_start3A_152 = tpu.memref_slice %arg3[%dma_start3A_150, %dma_start3A_151] : memref<1000000x64xf32, #tpu.memory_space<hbm>> -> memref<1000000x64xf32, #tpu.memory_space<hbm>>
    tpu.enqueue_indirect_dma source(%dma_start3A_152 : memref<1000000x64xf32, #tpu.memory_space<hbm>>) target(%dma_start3A_146 : memref<80x64xf32, #tpu.memory_space<vmem>>) offsets(%dma_start3A_149 : memref<80xi32, #tpu.memory_space<vmem>>) semaphore(%arg16 : memref<!tpu.dma_semaphore, #tpu.memory_space<semaphore_mem>>) {add = true}
    %dma_start3A_153 = arith.constant 12 : i32
    %dma_start3A_154 = arith.constant 160 : i32
    %dma_start3A_155 = arith.constant 0 : i32
    %dma_start3A_156 = tpu.memref_slice %arg10[%dma_start3A_154, %dma_start3A_155] : memref<400x64xf32, #tpu.memory_space<vmem>> -> memref<80x64xf32, #tpu.memory_space<vmem>>
    %dma_start3A_157 = arith.constant 0 : i32
    %dma_start3A_158 = tpu.memref_slice %arg7[%dma_start3A_153, %dma_start3A_157] : memref<320x80xi32, #tpu.memory_space<vmem>> -> memref<1x80xi32, #tpu.memory_space<vmem>>
    %dma_start3A_159 = tpu.memref_squeeze %dma_start3A_158 : memref<1x80xi32, #tpu.memory_space<vmem>> -> memref<80xi32, #tpu.memory_space<vmem>>
    %dma_start3A_160 = arith.constant 0 : i32
    %dma_start3A_161 = arith.constant 0 : i32
    %dma_start3A_162 = tpu.memref_slice %arg3[%dma_start3A_160, %dma_start3A_161] : memref<1000000x64xf32, #tpu.memory_space<hbm>> -> memref<1000000x64xf32, #tpu.memory_space<hbm>>
    tpu.enqueue_indirect_dma source(%dma_start3A_162 : memref<1000000x64xf32, #tpu.memory_space<hbm>>) target(%dma_start3A_156 : memref<80x64xf32, #tpu.memory_space<vmem>>) offsets(%dma_start3A_159 : memref<80xi32, #tpu.memory_space<vmem>>) semaphore(%arg16 : memref<!tpu.dma_semaphore, #tpu.memory_space<semaphore_mem>>) {add = true}
    %dma_start3A_163 = arith.constant 13 : i32
    %dma_start3A_164 = arith.constant 240 : i32
    %dma_start3A_165 = arith.constant 0 : i32
    %dma_start3A_166 = tpu.memref_slice %arg10[%dma_start3A_164, %dma_start3A_165] : memref<400x64xf32, #tpu.memory_space<vmem>> -> memref<80x64xf32, #tpu.memory_space<vmem>>
    %dma_start3A_167 = arith.constant 0 : i32
    %dma_start3A_168 = tpu.memref_slice %arg7[%dma_start3A_163, %dma_start3A_167] : memref<320x80xi32, #tpu.memory_space<vmem>> -> memref<1x80xi32, #tpu.memory_space<vmem>>
    %dma_start3A_169 = tpu.memref_squeeze %dma_start3A_168 : memref<1x80xi32, #tpu.memory_space<vmem>> -> memref<80xi32, #tpu.memory_space<vmem>>
    %dma_start3A_170 = arith.constant 0 : i32
    %dma_start3A_171 = arith.constant 0 : i32
    %dma_start3A_172 = tpu.memref_slice %arg3[%dma_start3A_170, %dma_start3A_171] : memref<1000000x64xf32, #tpu.memory_space<hbm>> -> memref<1000000x64xf32, #tpu.memory_space<hbm>>
    tpu.enqueue_indirect_dma source(%dma_start3A_172 : memref<1000000x64xf32, #tpu.memory_space<hbm>>) target(%dma_start3A_166 : memref<80x64xf32, #tpu.memory_space<vmem>>) offsets(%dma_start3A_169 : memref<80xi32, #tpu.memory_space<vmem>>) semaphore(%arg16 : memref<!tpu.dma_semaphore, #tpu.memory_space<semaphore_mem>>) {add = true}
    %dma_start3A_173 = arith.constant 14 : i32
    %dma_start3A_174 = arith.constant 320 : i32
    %dma_start3A_175 = arith.constant 0 : i32
    %dma_start3A_176 = tpu.memref_slice %arg10[%dma_start3A_174, %dma_start3A_175] : memref<400x64xf32, #tpu.memory_space<vmem>> -> memref<80x64xf32, #tpu.memory_space<vmem>>
    %dma_start3A_177 = arith.constant 0 : i32
    %dma_start3A_178 = tpu.memref_slice %arg7[%dma_start3A_173, %dma_start3A_177] : memref<320x80xi32, #tpu.memory_space<vmem>> -> memref<1x80xi32, #tpu.memory_space<vmem>>
    %dma_start3A_179 = tpu.memref_squeeze %dma_start3A_178 : memref<1x80xi32, #tpu.memory_space<vmem>> -> memref<80xi32, #tpu.memory_space<vmem>>
    %dma_start3A_180 = arith.constant 0 : i32
    %dma_start3A_181 = arith.constant 0 : i32
    %dma_start3A_182 = tpu.memref_slice %arg3[%dma_start3A_180, %dma_start3A_181] : memref<1000000x64xf32, #tpu.memory_space<hbm>> -> memref<1000000x64xf32, #tpu.memory_space<hbm>>
    tpu.enqueue_indirect_dma source(%dma_start3A_182 : memref<1000000x64xf32, #tpu.memory_space<hbm>>) target(%dma_start3A_176 : memref<80x64xf32, #tpu.memory_space<vmem>>) offsets(%dma_start3A_179 : memref<80xi32, #tpu.memory_space<vmem>>) semaphore(%arg16 : memref<!tpu.dma_semaphore, #tpu.memory_space<semaphore_mem>>) {add = true}
    %dma_wait3A_183 = arith.constant 0 : i32
    %dma_wait3A_184 = arith.constant 0 : i32
    %dma_wait3A_185 = tpu.memref_slice %arg5[%dma_wait3A_183, %dma_wait3A_184] : memref<819200x64xf32, #tpu.memory_space<hbm>> -> memref<400x64xf32, #tpu.memory_space<hbm>>
    %dma_wait3A_186 = arith.constant 0 : i32
    %dma_wait3A_187 = arith.constant 0 : i32
    %dma_wait3A_188 = tpu.memref_slice %arg5[%dma_wait3A_186, %dma_wait3A_187] : memref<819200x64xf32, #tpu.memory_space<hbm>> -> memref<400x64xf32, #tpu.memory_space<hbm>>
    tpu.wait_dma2 semaphore(%arg17 : memref<!tpu.dma_semaphore, #tpu.memory_space<semaphore_mem>>) src(%dma_wait3A_188 : memref<400x64xf32, #tpu.memory_space<hbm>>) dst(%arg8 : memref<400x64xf32, #tpu.memory_space<vmem>>)
    tpu.enqueue_dma source(%arg6 : memref<400x64xf32, #tpu.memory_space<vmem_shared>>) target(%arg8 : memref<400x64xf32, #tpu.memory_space<vmem>>) target_semaphore(%arg11 : memref<!tpu.dma_semaphore, #tpu.memory_space<semaphore_mem>>)
    %dma_wait3A_189 = arith.constant 0 : i32
    %dma_wait3A_190 = arith.constant 0 : i32
    %dma_wait3A_191 = tpu.memref_slice %arg5[%dma_wait3A_189, %dma_wait3A_190] : memref<819200x64xf32, #tpu.memory_space<hbm>> -> memref<400x64xf32, #tpu.memory_space<hbm>>
    %dma_wait3A_192 = arith.constant 0 : i32
    %dma_wait3A_193 = arith.constant 0 : i32
    %dma_wait3A_194 = tpu.memref_slice %arg5[%dma_wait3A_192, %dma_wait3A_193] : memref<819200x64xf32, #tpu.memory_space<hbm>> -> memref<400x64xf32, #tpu.memory_space<hbm>>
    tpu.wait_dma2 semaphore(%arg16 : memref<!tpu.dma_semaphore, #tpu.memory_space<semaphore_mem>>) src(%dma_wait3A_194 : memref<400x64xf32, #tpu.memory_space<hbm>>) dst(%arg10 : memref<400x64xf32, #tpu.memory_space<vmem>>)
    %mul3A_195 = arith.constant 25600 : i32
    %mul3A_196 = arith.muli %add3A, %mul3A_195 : i32
    %add3A_197 = arith.constant 800 : i32
    %add3A_198 = arith.addi %mul3A_196, %add3A_197 : i32
    %dma_start3A_199 = arith.constant 0 : i32
    %dma_start3A_200 = tpu.memref_slice %arg5[%add3A_198, %dma_start3A_199] : memref<819200x64xf32, #tpu.memory_space<hbm>> -> memref<400x64xf32, #tpu.memory_space<hbm>>
    %dma_start3A_201 = arith.constant 0 : i32
    %dma_start3A_202 = tpu.memref_slice %arg5[%add3A_198, %dma_start3A_201] : memref<819200x64xf32, #tpu.memory_space<hbm>> -> memref<400x64xf32, #tpu.memory_space<hbm>>
    tpu.enqueue_dma source(%arg10 : memref<400x64xf32, #tpu.memory_space<vmem>>) target(%dma_start3A_202 : memref<400x64xf32, #tpu.memory_space<hbm>>) target_semaphore(%arg19 : memref<!tpu.dma_semaphore, #tpu.memory_space<semaphore_mem>>)
    tpu.wait_dma2 semaphore(%arg11 : memref<!tpu.dma_semaphore, #tpu.memory_space<semaphore_mem>>) src(%arg6 : memref<400x64xf32, #tpu.memory_space<vmem_shared>>) dst(%arg8 : memref<400x64xf32, #tpu.memory_space<vmem>>)
    %dma_start3A_203 = arith.constant 15 : i32
    %dma_start3A_204 = arith.constant 0 : i32
    %dma_start3A_205 = arith.constant 0 : i32
    %dma_start3A_206 = tpu.memref_slice %arg8[%dma_start3A_204, %dma_start3A_205] : memref<400x64xf32, #tpu.memory_space<vmem>> -> memref<80x64xf32, #tpu.memory_space<vmem>>
    %dma_start3A_207 = arith.constant 0 : i32
    %dma_start3A_208 = tpu.memref_slice %arg7[%dma_start3A_203, %dma_start3A_207] : memref<320x80xi32, #tpu.memory_space<vmem>> -> memref<1x80xi32, #tpu.memory_space<vmem>>
    %dma_start3A_209 = tpu.memref_squeeze %dma_start3A_208 : memref<1x80xi32, #tpu.memory_space<vmem>> -> memref<80xi32, #tpu.memory_space<vmem>>
    %dma_start3A_210 = arith.constant 0 : i32
    %dma_start3A_211 = arith.constant 0 : i32
    %dma_start3A_212 = tpu.memref_slice %arg3[%dma_start3A_210, %dma_start3A_211] : memref<1000000x64xf32, #tpu.memory_space<hbm>> -> memref<1000000x64xf32, #tpu.memory_space<hbm>>
    tpu.enqueue_indirect_dma source(%dma_start3A_212 : memref<1000000x64xf32, #tpu.memory_space<hbm>>) target(%dma_start3A_206 : memref<80x64xf32, #tpu.memory_space<vmem>>) offsets(%dma_start3A_209 : memref<80xi32, #tpu.memory_space<vmem>>) semaphore(%arg14 : memref<!tpu.dma_semaphore, #tpu.memory_space<semaphore_mem>>) {add = true}
    %dma_start3A_213 = arith.constant 16 : i32
    %dma_start3A_214 = arith.constant 80 : i32
    %dma_start3A_215 = arith.constant 0 : i32
    %dma_start3A_216 = tpu.memref_slice %arg8[%dma_start3A_214, %dma_start3A_215] : memref<400x64xf32, #tpu.memory_space<vmem>> -> memref<80x64xf32, #tpu.memory_space<vmem>>
    %dma_start3A_217 = arith.constant 0 : i32
    %dma_start3A_218 = tpu.memref_slice %arg7[%dma_start3A_213, %dma_start3A_217] : memref<320x80xi32, #tpu.memory_space<vmem>> -> memref<1x80xi32, #tpu.memory_space<vmem>>
    %dma_start3A_219 = tpu.memref_squeeze %dma_start3A_218 : memref<1x80xi32, #tpu.memory_space<vmem>> -> memref<80xi32, #tpu.memory_space<vmem>>
    %dma_start3A_220 = arith.constant 0 : i32
    %dma_start3A_221 = arith.constant 0 : i32
    %dma_start3A_222 = tpu.memref_slice %arg3[%dma_start3A_220, %dma_start3A_221] : memref<1000000x64xf32, #tpu.memory_space<hbm>> -> memref<1000000x64xf32, #tpu.memory_space<hbm>>
    tpu.enqueue_indirect_dma source(%dma_start3A_222 : memref<1000000x64xf32, #tpu.memory_space<hbm>>) target(%dma_start3A_216 : memref<80x64xf32, #tpu.memory_space<vmem>>) offsets(%dma_start3A_219 : memref<80xi32, #tpu.memory_space<vmem>>) semaphore(%arg14 : memref<!tpu.dma_semaphore, #tpu.memory_space<semaphore_mem>>) {add = true}
    %dma_start3A_223 = arith.constant 17 : i32
    %dma_start3A_224 = arith.constant 160 : i32
    %dma_start3A_225 = arith.constant 0 : i32
    %dma_start3A_226 = tpu.memref_slice %arg8[%dma_start3A_224, %dma_start3A_225] : memref<400x64xf32, #tpu.memory_space<vmem>> -> memref<80x64xf32, #tpu.memory_space<vmem>>
    %dma_start3A_227 = arith.constant 0 : i32
    %dma_start3A_228 = tpu.memref_slice %arg7[%dma_start3A_223, %dma_start3A_227] : memref<320x80xi32, #tpu.memory_space<vmem>> -> memref<1x80xi32, #tpu.memory_space<vmem>>
    %dma_start3A_229 = tpu.memref_squeeze %dma_start3A_228 : memref<1x80xi32, #tpu.memory_space<vmem>> -> memref<80xi32, #tpu.memory_space<vmem>>
    %dma_start3A_230 = arith.constant 0 : i32
    %dma_start3A_231 = arith.constant 0 : i32
    %dma_start3A_232 = tpu.memref_slice %arg3[%dma_start3A_230, %dma_start3A_231] : memref<1000000x64xf32, #tpu.memory_space<hbm>> -> memref<1000000x64xf32, #tpu.memory_space<hbm>>
    tpu.enqueue_indirect_dma source(%dma_start3A_232 : memref<1000000x64xf32, #tpu.memory_space<hbm>>) target(%dma_start3A_226 : memref<80x64xf32, #tpu.memory_space<vmem>>) offsets(%dma_start3A_229 : memref<80xi32, #tpu.memory_space<vmem>>) semaphore(%arg14 : memref<!tpu.dma_semaphore, #tpu.memory_space<semaphore_mem>>) {add = true}
    %dma_start3A_233 = arith.constant 18 : i32
    %dma_start3A_234 = arith.constant 240 : i32
    %dma_start3A_235 = arith.constant 0 : i32
    %dma_start3A_236 = tpu.memref_slice %arg8[%dma_start3A_234, %dma_start3A_235] : memref<400x64xf32, #tpu.memory_space<vmem>> -> memref<80x64xf32, #tpu.memory_space<vmem>>
    %dma_start3A_237 = arith.constant 0 : i32
    %dma_start3A_238 = tpu.memref_slice %arg7[%dma_start3A_233, %dma_start3A_237] : memref<320x80xi32, #tpu.memory_space<vmem>> -> memref<1x80xi32, #tpu.memory_space<vmem>>
    %dma_start3A_239 = tpu.memref_squeeze %dma_start3A_238 : memref<1x80xi32, #tpu.memory_space<vmem>> -> memref<80xi32, #tpu.memory_space<vmem>>
    %dma_start3A_240 = arith.constant 0 : i32
    %dma_start3A_241 = arith.constant 0 : i32
    %dma_start3A_242 = tpu.memref_slice %arg3[%dma_start3A_240, %dma_start3A_241] : memref<1000000x64xf32, #tpu.memory_space<hbm>> -> memref<1000000x64xf32, #tpu.memory_space<hbm>>
    tpu.enqueue_indirect_dma source(%dma_start3A_242 : memref<1000000x64xf32, #tpu.memory_space<hbm>>) target(%dma_start3A_236 : memref<80x64xf32, #tpu.memory_space<vmem>>) offsets(%dma_start3A_239 : memref<80xi32, #tpu.memory_space<vmem>>) semaphore(%arg14 : memref<!tpu.dma_semaphore, #tpu.memory_space<semaphore_mem>>) {add = true}
    %dma_start3A_243 = arith.constant 19 : i32
    %dma_start3A_244 = arith.constant 320 : i32
    %dma_start3A_245 = arith.constant 0 : i32
    %dma_start3A_246 = tpu.memref_slice %arg8[%dma_start3A_244, %dma_start3A_245] : memref<400x64xf32, #tpu.memory_space<vmem>> -> memref<80x64xf32, #tpu.memory_space<vmem>>
    %dma_start3A_247 = arith.constant 0 : i32
    %dma_start3A_248 = tpu.memref_slice %arg7[%dma_start3A_243, %dma_start3A_247] : memref<320x80xi32, #tpu.memory_space<vmem>> -> memref<1x80xi32, #tpu.memory_space<vmem>>
    %dma_start3A_249 = tpu.memref_squeeze %dma_start3A_248 : memref<1x80xi32, #tpu.memory_space<vmem>> -> memref<80xi32, #tpu.memory_space<vmem>>
    %dma_start3A_250 = arith.constant 0 : i32
    %dma_start3A_251 = arith.constant 0 : i32
    %dma_start3A_252 = tpu.memref_slice %arg3[%dma_start3A_250, %dma_start3A_251] : memref<1000000x64xf32, #tpu.memory_space<hbm>> -> memref<1000000x64xf32, #tpu.memory_space<hbm>>
    tpu.enqueue_indirect_dma source(%dma_start3A_252 : memref<1000000x64xf32, #tpu.memory_space<hbm>>) target(%dma_start3A_246 : memref<80x64xf32, #tpu.memory_space<vmem>>) offsets(%dma_start3A_249 : memref<80xi32, #tpu.memory_space<vmem>>) semaphore(%arg14 : memref<!tpu.dma_semaphore, #tpu.memory_space<semaphore_mem>>) {add = true}
    %dma_wait3A_253 = arith.constant 0 : i32
    %dma_wait3A_254 = arith.constant 0 : i32
    %dma_wait3A_255 = tpu.memref_slice %arg5[%dma_wait3A_253, %dma_wait3A_254] : memref<819200x64xf32, #tpu.memory_space<hbm>> -> memref<400x64xf32, #tpu.memory_space<hbm>>
    %dma_wait3A_256 = arith.constant 0 : i32
    %dma_wait3A_257 = arith.constant 0 : i32
    %dma_wait3A_258 = tpu.memref_slice %arg5[%dma_wait3A_256, %dma_wait3A_257] : memref<819200x64xf32, #tpu.memory_space<hbm>> -> memref<400x64xf32, #tpu.memory_space<hbm>>
    tpu.wait_dma2 semaphore(%arg18 : memref<!tpu.dma_semaphore, #tpu.memory_space<semaphore_mem>>) src(%dma_wait3A_258 : memref<400x64xf32, #tpu.memory_space<hbm>>) dst(%arg9 : memref<400x64xf32, #tpu.memory_space<vmem>>)
    tpu.enqueue_dma source(%arg6 : memref<400x64xf32, #tpu.memory_space<vmem_shared>>) target(%arg9 : memref<400x64xf32, #tpu.memory_space<vmem>>) target_semaphore(%arg12 : memref<!tpu.dma_semaphore, #tpu.memory_space<semaphore_mem>>)
    %scan3A = arith.constant 0 : i32
    %scan3A_259 = arith.constant 19 : i32
    %scan3A_260 = arith.addi %scan3A, %scan3A_259 : i32
    %scan3A_261 = arith.constant 1 : i32
    scf.for %scan3A_499 = %scan3A to %scan3A_260 step %scan3A_261  : i32 {
      %mul3A_500 = arith.constant 1 : i32
      %mul3A_501 = arith.muli %scan3A_499, %mul3A_500 : i32
      %add3A_502 = arith.constant 1 : i32
      %add3A_503 = arith.addi %add3A_502, %mul3A_501 : i32
      %mul3A_504 = arith.constant 3 : i32
      %mul3A_505 = arith.muli %add3A_503, %mul3A_504 : i32
      %add3A_506 = arith.constant 0 : i32
      %add3A_507 = arith.addi %mul3A_505, %add3A_506 : i32
      %dma_wait3A_508 = arith.constant 0 : i32
      %dma_wait3A_509 = arith.constant 0 : i32
      %dma_wait3A_510 = tpu.memref_slice %arg5[%dma_wait3A_508, %dma_wait3A_509] : memref<819200x64xf32, #tpu.memory_space<hbm>> -> memref<400x64xf32, #tpu.memory_space<hbm>>
      %dma_wait3A_511 = arith.constant 0 : i32
      %dma_wait3A_512 = arith.constant 0 : i32
      %dma_wait3A_513 = tpu.memref_slice %arg5[%dma_wait3A_511, %dma_wait3A_512] : memref<819200x64xf32, #tpu.memory_space<hbm>> -> memref<400x64xf32, #tpu.memory_space<hbm>>
      tpu.wait_dma2 semaphore(%arg14 : memref<!tpu.dma_semaphore, #tpu.memory_space<semaphore_mem>>) src(%dma_wait3A_513 : memref<400x64xf32, #tpu.memory_space<hbm>>) dst(%arg8 : memref<400x64xf32, #tpu.memory_space<vmem>>)
      %mul3A_514 = arith.constant 25600 : i32
      %mul3A_515 = arith.muli %add3A, %mul3A_514 : i32
      %mul3A_516 = arith.constant 400 : i32
      %mul3A_517 = arith.muli %add3A_507, %mul3A_516 : i32
      %add3A_518 = arith.addi %mul3A_515, %mul3A_517 : i32
      %dma_start3A_519 = arith.constant 0 : i32
      %dma_start3A_520 = tpu.memref_slice %arg5[%add3A_518, %dma_start3A_519] : memref<819200x64xf32, #tpu.memory_space<hbm>> -> memref<400x64xf32, #tpu.memory_space<hbm>>
      %dma_start3A_521 = arith.constant 0 : i32
      %dma_start3A_522 = tpu.memref_slice %arg5[%add3A_518, %dma_start3A_521] : memref<819200x64xf32, #tpu.memory_space<hbm>> -> memref<400x64xf32, #tpu.memory_space<hbm>>
      tpu.enqueue_dma source(%arg8 : memref<400x64xf32, #tpu.memory_space<vmem>>) target(%dma_start3A_522 : memref<400x64xf32, #tpu.memory_space<hbm>>) target_semaphore(%arg17 : memref<!tpu.dma_semaphore, #tpu.memory_space<semaphore_mem>>)
      tpu.wait_dma2 semaphore(%arg12 : memref<!tpu.dma_semaphore, #tpu.memory_space<semaphore_mem>>) src(%arg6 : memref<400x64xf32, #tpu.memory_space<vmem_shared>>) dst(%arg9 : memref<400x64xf32, #tpu.memory_space<vmem>>)
      %add3A_523 = arith.constant 1 : i32
      %add3A_524 = arith.addi %add3A_507, %add3A_523 : i32
      %mul3A_525 = arith.constant 5 : i32
      %mul3A_526 = arith.muli %add3A_524, %mul3A_525 : i32
      %add3A_527 = arith.constant 0 : i32
      %add3A_528 = arith.addi %mul3A_526, %add3A_527 : i32
      %dma_start3A_529 = arith.constant 0 : i32
      %dma_start3A_530 = arith.constant 0 : i32
      %dma_start3A_531 = tpu.memref_slice %arg9[%dma_start3A_529, %dma_start3A_530] : memref<400x64xf32, #tpu.memory_space<vmem>> -> memref<80x64xf32, #tpu.memory_space<vmem>>
      %dma_start3A_532 = arith.constant 0 : i32
      %dma_start3A_533 = tpu.memref_slice %arg7[%add3A_528, %dma_start3A_532] : memref<320x80xi32, #tpu.memory_space<vmem>> -> memref<1x80xi32, #tpu.memory_space<vmem>>
      %dma_start3A_534 = tpu.memref_squeeze %dma_start3A_533 : memref<1x80xi32, #tpu.memory_space<vmem>> -> memref<80xi32, #tpu.memory_space<vmem>>
      %dma_start3A_535 = arith.constant 0 : i32
      %dma_start3A_536 = arith.constant 0 : i32
      %dma_start3A_537 = tpu.memref_slice %arg3[%dma_start3A_535, %dma_start3A_536] : memref<1000000x64xf32, #tpu.memory_space<hbm>> -> memref<1000000x64xf32, #tpu.memory_space<hbm>>
      tpu.enqueue_indirect_dma source(%dma_start3A_537 : memref<1000000x64xf32, #tpu.memory_space<hbm>>) target(%dma_start3A_531 : memref<80x64xf32, #tpu.memory_space<vmem>>) offsets(%dma_start3A_534 : memref<80xi32, #tpu.memory_space<vmem>>) semaphore(%arg15 : memref<!tpu.dma_semaphore, #tpu.memory_space<semaphore_mem>>) {add = true}
      %mul3A_538 = arith.constant 5 : i32
      %mul3A_539 = arith.muli %add3A_524, %mul3A_538 : i32
      %add3A_540 = arith.constant 1 : i32
      %add3A_541 = arith.addi %mul3A_539, %add3A_540 : i32
      %dma_start3A_542 = arith.constant 80 : i32
      %dma_start3A_543 = arith.constant 0 : i32
      %dma_start3A_544 = tpu.memref_slice %arg9[%dma_start3A_542, %dma_start3A_543] : memref<400x64xf32, #tpu.memory_space<vmem>> -> memref<80x64xf32, #tpu.memory_space<vmem>>
      %dma_start3A_545 = arith.constant 0 : i32
      %dma_start3A_546 = tpu.memref_slice %arg7[%add3A_541, %dma_start3A_545] : memref<320x80xi32, #tpu.memory_space<vmem>> -> memref<1x80xi32, #tpu.memory_space<vmem>>
      %dma_start3A_547 = tpu.memref_squeeze %dma_start3A_546 : memref<1x80xi32, #tpu.memory_space<vmem>> -> memref<80xi32, #tpu.memory_space<vmem>>
      %dma_start3A_548 = arith.constant 0 : i32
      %dma_start3A_549 = arith.constant 0 : i32
      %dma_start3A_550 = tpu.memref_slice %arg3[%dma_start3A_548, %dma_start3A_549] : memref<1000000x64xf32, #tpu.memory_space<hbm>> -> memref<1000000x64xf32, #tpu.memory_space<hbm>>
      tpu.enqueue_indirect_dma source(%dma_start3A_550 : memref<1000000x64xf32, #tpu.memory_space<hbm>>) target(%dma_start3A_544 : memref<80x64xf32, #tpu.memory_space<vmem>>) offsets(%dma_start3A_547 : memref<80xi32, #tpu.memory_space<vmem>>) semaphore(%arg15 : memref<!tpu.dma_semaphore, #tpu.memory_space<semaphore_mem>>) {add = true}
      %mul3A_551 = arith.constant 5 : i32
      %mul3A_552 = arith.muli %add3A_524, %mul3A_551 : i32
      %add3A_553 = arith.constant 2 : i32
      %add3A_554 = arith.addi %mul3A_552, %add3A_553 : i32
      %dma_start3A_555 = arith.constant 160 : i32
      %dma_start3A_556 = arith.constant 0 : i32
      %dma_start3A_557 = tpu.memref_slice %arg9[%dma_start3A_555, %dma_start3A_556] : memref<400x64xf32, #tpu.memory_space<vmem>> -> memref<80x64xf32, #tpu.memory_space<vmem>>
      %dma_start3A_558 = arith.constant 0 : i32
      %dma_start3A_559 = tpu.memref_slice %arg7[%add3A_554, %dma_start3A_558] : memref<320x80xi32, #tpu.memory_space<vmem>> -> memref<1x80xi32, #tpu.memory_space<vmem>>
      %dma_start3A_560 = tpu.memref_squeeze %dma_start3A_559 : memref<1x80xi32, #tpu.memory_space<vmem>> -> memref<80xi32, #tpu.memory_space<vmem>>
      %dma_start3A_561 = arith.constant 0 : i32
      %dma_start3A_562 = arith.constant 0 : i32
      %dma_start3A_563 = tpu.memref_slice %arg3[%dma_start3A_561, %dma_start3A_562] : memref<1000000x64xf32, #tpu.memory_space<hbm>> -> memref<1000000x64xf32, #tpu.memory_space<hbm>>
      tpu.enqueue_indirect_dma source(%dma_start3A_563 : memref<1000000x64xf32, #tpu.memory_space<hbm>>) target(%dma_start3A_557 : memref<80x64xf32, #tpu.memory_space<vmem>>) offsets(%dma_start3A_560 : memref<80xi32, #tpu.memory_space<vmem>>) semaphore(%arg15 : memref<!tpu.dma_semaphore, #tpu.memory_space<semaphore_mem>>) {add = true}
      %mul3A_564 = arith.constant 5 : i32
      %mul3A_565 = arith.muli %add3A_524, %mul3A_564 : i32
      %add3A_566 = arith.constant 3 : i32
      %add3A_567 = arith.addi %mul3A_565, %add3A_566 : i32
      %dma_start3A_568 = arith.constant 240 : i32
      %dma_start3A_569 = arith.constant 0 : i32
      %dma_start3A_570 = tpu.memref_slice %arg9[%dma_start3A_568, %dma_start3A_569] : memref<400x64xf32, #tpu.memory_space<vmem>> -> memref<80x64xf32, #tpu.memory_space<vmem>>
      %dma_start3A_571 = arith.constant 0 : i32
      %dma_start3A_572 = tpu.memref_slice %arg7[%add3A_567, %dma_start3A_571] : memref<320x80xi32, #tpu.memory_space<vmem>> -> memref<1x80xi32, #tpu.memory_space<vmem>>
      %dma_start3A_573 = tpu.memref_squeeze %dma_start3A_572 : memref<1x80xi32, #tpu.memory_space<vmem>> -> memref<80xi32, #tpu.memory_space<vmem>>
      %dma_start3A_574 = arith.constant 0 : i32
      %dma_start3A_575 = arith.constant 0 : i32
      %dma_start3A_576 = tpu.memref_slice %arg3[%dma_start3A_574, %dma_start3A_575] : memref<1000000x64xf32, #tpu.memory_space<hbm>> -> memref<1000000x64xf32, #tpu.memory_space<hbm>>
      tpu.enqueue_indirect_dma source(%dma_start3A_576 : memref<1000000x64xf32, #tpu.memory_space<hbm>>) target(%dma_start3A_570 : memref<80x64xf32, #tpu.memory_space<vmem>>) offsets(%dma_start3A_573 : memref<80xi32, #tpu.memory_space<vmem>>) semaphore(%arg15 : memref<!tpu.dma_semaphore, #tpu.memory_space<semaphore_mem>>) {add = true}
      %mul3A_577 = arith.constant 5 : i32
      %mul3A_578 = arith.muli %add3A_524, %mul3A_577 : i32
      %add3A_579 = arith.constant 4 : i32
      %add3A_580 = arith.addi %mul3A_578, %add3A_579 : i32
      %dma_start3A_581 = arith.constant 320 : i32
      %dma_start3A_582 = arith.constant 0 : i32
      %dma_start3A_583 = tpu.memref_slice %arg9[%dma_start3A_581, %dma_start3A_582] : memref<400x64xf32, #tpu.memory_space<vmem>> -> memref<80x64xf32, #tpu.memory_space<vmem>>
      %dma_start3A_584 = arith.constant 0 : i32
      %dma_start3A_585 = tpu.memref_slice %arg7[%add3A_580, %dma_start3A_584] : memref<320x80xi32, #tpu.memory_space<vmem>> -> memref<1x80xi32, #tpu.memory_space<vmem>>
      %dma_start3A_586 = tpu.memref_squeeze %dma_start3A_585 : memref<1x80xi32, #tpu.memory_space<vmem>> -> memref<80xi32, #tpu.memory_space<vmem>>
      %dma_start3A_587 = arith.constant 0 : i32
      %dma_start3A_588 = arith.constant 0 : i32
      %dma_start3A_589 = tpu.memref_slice %arg3[%dma_start3A_587, %dma_start3A_588] : memref<1000000x64xf32, #tpu.memory_space<hbm>> -> memref<1000000x64xf32, #tpu.memory_space<hbm>>
      tpu.enqueue_indirect_dma source(%dma_start3A_589 : memref<1000000x64xf32, #tpu.memory_space<hbm>>) target(%dma_start3A_583 : memref<80x64xf32, #tpu.memory_space<vmem>>) offsets(%dma_start3A_586 : memref<80xi32, #tpu.memory_space<vmem>>) semaphore(%arg15 : memref<!tpu.dma_semaphore, #tpu.memory_space<semaphore_mem>>) {add = true}
      %dma_wait3A_590 = arith.constant 0 : i32
      %dma_wait3A_591 = arith.constant 0 : i32
      %dma_wait3A_592 = tpu.memref_slice %arg5[%dma_wait3A_590, %dma_wait3A_591] : memref<819200x64xf32, #tpu.memory_space<hbm>> -> memref<400x64xf32, #tpu.memory_space<hbm>>
      %dma_wait3A_593 = arith.constant 0 : i32
      %dma_wait3A_594 = arith.constant 0 : i32
      %dma_wait3A_595 = tpu.memref_slice %arg5[%dma_wait3A_593, %dma_wait3A_594] : memref<819200x64xf32, #tpu.memory_space<hbm>> -> memref<400x64xf32, #tpu.memory_space<hbm>>
      tpu.wait_dma2 semaphore(%arg19 : memref<!tpu.dma_semaphore, #tpu.memory_space<semaphore_mem>>) src(%dma_wait3A_595 : memref<400x64xf32, #tpu.memory_space<hbm>>) dst(%arg10 : memref<400x64xf32, #tpu.memory_space<vmem>>)
      tpu.enqueue_dma source(%arg6 : memref<400x64xf32, #tpu.memory_space<vmem_shared>>) target(%arg10 : memref<400x64xf32, #tpu.memory_space<vmem>>) target_semaphore(%arg13 : memref<!tpu.dma_semaphore, #tpu.memory_space<semaphore_mem>>)
      %add3A_596 = arith.constant 1 : i32
      %add3A_597 = arith.addi %mul3A_505, %add3A_596 : i32
      %dma_wait3A_598 = arith.constant 0 : i32
      %dma_wait3A_599 = arith.constant 0 : i32
      %dma_wait3A_600 = tpu.memref_slice %arg5[%dma_wait3A_598, %dma_wait3A_599] : memref<819200x64xf32, #tpu.memory_space<hbm>> -> memref<400x64xf32, #tpu.memory_space<hbm>>
      %dma_wait3A_601 = arith.constant 0 : i32
      %dma_wait3A_602 = arith.constant 0 : i32
      %dma_wait3A_603 = tpu.memref_slice %arg5[%dma_wait3A_601, %dma_wait3A_602] : memref<819200x64xf32, #tpu.memory_space<hbm>> -> memref<400x64xf32, #tpu.memory_space<hbm>>
      tpu.wait_dma2 semaphore(%arg15 : memref<!tpu.dma_semaphore, #tpu.memory_space<semaphore_mem>>) src(%dma_wait3A_603 : memref<400x64xf32, #tpu.memory_space<hbm>>) dst(%arg9 : memref<400x64xf32, #tpu.memory_space<vmem>>)
      %mul3A_604 = arith.constant 25600 : i32
      %mul3A_605 = arith.muli %add3A, %mul3A_604 : i32
      %mul3A_606 = arith.constant 400 : i32
      %mul3A_607 = arith.muli %add3A_597, %mul3A_606 : i32
      %add3A_608 = arith.addi %mul3A_605, %mul3A_607 : i32
      %dma_start3A_609 = arith.constant 0 : i32
      %dma_start3A_610 = tpu.memref_slice %arg5[%add3A_608, %dma_start3A_609] : memref<819200x64xf32, #tpu.memory_space<hbm>> -> memref<400x64xf32, #tpu.memory_space<hbm>>
      %dma_start3A_611 = arith.constant 0 : i32
      %dma_start3A_612 = tpu.memref_slice %arg5[%add3A_608, %dma_start3A_611] : memref<819200x64xf32, #tpu.memory_space<hbm>> -> memref<400x64xf32, #tpu.memory_space<hbm>>
      tpu.enqueue_dma source(%arg9 : memref<400x64xf32, #tpu.memory_space<vmem>>) target(%dma_start3A_612 : memref<400x64xf32, #tpu.memory_space<hbm>>) target_semaphore(%arg18 : memref<!tpu.dma_semaphore, #tpu.memory_space<semaphore_mem>>)
      tpu.wait_dma2 semaphore(%arg13 : memref<!tpu.dma_semaphore, #tpu.memory_space<semaphore_mem>>) src(%arg6 : memref<400x64xf32, #tpu.memory_space<vmem_shared>>) dst(%arg10 : memref<400x64xf32, #tpu.memory_space<vmem>>)
      %add3A_613 = arith.constant 1 : i32
      %add3A_614 = arith.addi %add3A_597, %add3A_613 : i32
      %mul3A_615 = arith.constant 5 : i32
      %mul3A_616 = arith.muli %add3A_614, %mul3A_615 : i32
      %add3A_617 = arith.constant 0 : i32
      %add3A_618 = arith.addi %mul3A_616, %add3A_617 : i32
      %dma_start3A_619 = arith.constant 0 : i32
      %dma_start3A_620 = arith.constant 0 : i32
      %dma_start3A_621 = tpu.memref_slice %arg10[%dma_start3A_619, %dma_start3A_620] : memref<400x64xf32, #tpu.memory_space<vmem>> -> memref<80x64xf32, #tpu.memory_space<vmem>>
      %dma_start3A_622 = arith.constant 0 : i32
      %dma_start3A_623 = tpu.memref_slice %arg7[%add3A_618, %dma_start3A_622] : memref<320x80xi32, #tpu.memory_space<vmem>> -> memref<1x80xi32, #tpu.memory_space<vmem>>
      %dma_start3A_624 = tpu.memref_squeeze %dma_start3A_623 : memref<1x80xi32, #tpu.memory_space<vmem>> -> memref<80xi32, #tpu.memory_space<vmem>>
      %dma_start3A_625 = arith.constant 0 : i32
      %dma_start3A_626 = arith.constant 0 : i32
      %dma_start3A_627 = tpu.memref_slice %arg3[%dma_start3A_625, %dma_start3A_626] : memref<1000000x64xf32, #tpu.memory_space<hbm>> -> memref<1000000x64xf32, #tpu.memory_space<hbm>>
      tpu.enqueue_indirect_dma source(%dma_start3A_627 : memref<1000000x64xf32, #tpu.memory_space<hbm>>) target(%dma_start3A_621 : memref<80x64xf32, #tpu.memory_space<vmem>>) offsets(%dma_start3A_624 : memref<80xi32, #tpu.memory_space<vmem>>) semaphore(%arg16 : memref<!tpu.dma_semaphore, #tpu.memory_space<semaphore_mem>>) {add = true}
      %mul3A_628 = arith.constant 5 : i32
      %mul3A_629 = arith.muli %add3A_614, %mul3A_628 : i32
      %add3A_630 = arith.constant 1 : i32
      %add3A_631 = arith.addi %mul3A_629, %add3A_630 : i32
      %dma_start3A_632 = arith.constant 80 : i32
      %dma_start3A_633 = arith.constant 0 : i32
      %dma_start3A_634 = tpu.memref_slice %arg10[%dma_start3A_632, %dma_start3A_633] : memref<400x64xf32, #tpu.memory_space<vmem>> -> memref<80x64xf32, #tpu.memory_space<vmem>>
      %dma_start3A_635 = arith.constant 0 : i32
      %dma_start3A_636 = tpu.memref_slice %arg7[%add3A_631, %dma_start3A_635] : memref<320x80xi32, #tpu.memory_space<vmem>> -> memref<1x80xi32, #tpu.memory_space<vmem>>
      %dma_start3A_637 = tpu.memref_squeeze %dma_start3A_636 : memref<1x80xi32, #tpu.memory_space<vmem>> -> memref<80xi32, #tpu.memory_space<vmem>>
      %dma_start3A_638 = arith.constant 0 : i32
      %dma_start3A_639 = arith.constant 0 : i32
      %dma_start3A_640 = tpu.memref_slice %arg3[%dma_start3A_638, %dma_start3A_639] : memref<1000000x64xf32, #tpu.memory_space<hbm>> -> memref<1000000x64xf32, #tpu.memory_space<hbm>>
      tpu.enqueue_indirect_dma source(%dma_start3A_640 : memref<1000000x64xf32, #tpu.memory_space<hbm>>) target(%dma_start3A_634 : memref<80x64xf32, #tpu.memory_space<vmem>>) offsets(%dma_start3A_637 : memref<80xi32, #tpu.memory_space<vmem>>) semaphore(%arg16 : memref<!tpu.dma_semaphore, #tpu.memory_space<semaphore_mem>>) {add = true}
      %mul3A_641 = arith.constant 5 : i32
      %mul3A_642 = arith.muli %add3A_614, %mul3A_641 : i32
      %add3A_643 = arith.constant 2 : i32
      %add3A_644 = arith.addi %mul3A_642, %add3A_643 : i32
      %dma_start3A_645 = arith.constant 160 : i32
      %dma_start3A_646 = arith.constant 0 : i32
      %dma_start3A_647 = tpu.memref_slice %arg10[%dma_start3A_645, %dma_start3A_646] : memref<400x64xf32, #tpu.memory_space<vmem>> -> memref<80x64xf32, #tpu.memory_space<vmem>>
      %dma_start3A_648 = arith.constant 0 : i32
      %dma_start3A_649 = tpu.memref_slice %arg7[%add3A_644, %dma_start3A_648] : memref<320x80xi32, #tpu.memory_space<vmem>> -> memref<1x80xi32, #tpu.memory_space<vmem>>
      %dma_start3A_650 = tpu.memref_squeeze %dma_start3A_649 : memref<1x80xi32, #tpu.memory_space<vmem>> -> memref<80xi32, #tpu.memory_space<vmem>>
      %dma_start3A_651 = arith.constant 0 : i32
      %dma_start3A_652 = arith.constant 0 : i32
      %dma_start3A_653 = tpu.memref_slice %arg3[%dma_start3A_651, %dma_start3A_652] : memref<1000000x64xf32, #tpu.memory_space<hbm>> -> memref<1000000x64xf32, #tpu.memory_space<hbm>>
      tpu.enqueue_indirect_dma source(%dma_start3A_653 : memref<1000000x64xf32, #tpu.memory_space<hbm>>) target(%dma_start3A_647 : memref<80x64xf32, #tpu.memory_space<vmem>>) offsets(%dma_start3A_650 : memref<80xi32, #tpu.memory_space<vmem>>) semaphore(%arg16 : memref<!tpu.dma_semaphore, #tpu.memory_space<semaphore_mem>>) {add = true}
      %mul3A_654 = arith.constant 5 : i32
      %mul3A_655 = arith.muli %add3A_614, %mul3A_654 : i32
      %add3A_656 = arith.constant 3 : i32
      %add3A_657 = arith.addi %mul3A_655, %add3A_656 : i32
      %dma_start3A_658 = arith.constant 240 : i32
      %dma_start3A_659 = arith.constant 0 : i32
      %dma_start3A_660 = tpu.memref_slice %arg10[%dma_start3A_658, %dma_start3A_659] : memref<400x64xf32, #tpu.memory_space<vmem>> -> memref<80x64xf32, #tpu.memory_space<vmem>>
      %dma_start3A_661 = arith.constant 0 : i32
      %dma_start3A_662 = tpu.memref_slice %arg7[%add3A_657, %dma_start3A_661] : memref<320x80xi32, #tpu.memory_space<vmem>> -> memref<1x80xi32, #tpu.memory_space<vmem>>
      %dma_start3A_663 = tpu.memref_squeeze %dma_start3A_662 : memref<1x80xi32, #tpu.memory_space<vmem>> -> memref<80xi32, #tpu.memory_space<vmem>>
      %dma_start3A_664 = arith.constant 0 : i32
      %dma_start3A_665 = arith.constant 0 : i32
      %dma_start3A_666 = tpu.memref_slice %arg3[%dma_start3A_664, %dma_start3A_665] : memref<1000000x64xf32, #tpu.memory_space<hbm>> -> memref<1000000x64xf32, #tpu.memory_space<hbm>>
      tpu.enqueue_indirect_dma source(%dma_start3A_666 : memref<1000000x64xf32, #tpu.memory_space<hbm>>) target(%dma_start3A_660 : memref<80x64xf32, #tpu.memory_space<vmem>>) offsets(%dma_start3A_663 : memref<80xi32, #tpu.memory_space<vmem>>) semaphore(%arg16 : memref<!tpu.dma_semaphore, #tpu.memory_space<semaphore_mem>>) {add = true}
      %mul3A_667 = arith.constant 5 : i32
      %mul3A_668 = arith.muli %add3A_614, %mul3A_667 : i32
      %add3A_669 = arith.constant 4 : i32
      %add3A_670 = arith.addi %mul3A_668, %add3A_669 : i32
      %dma_start3A_671 = arith.constant 320 : i32
      %dma_start3A_672 = arith.constant 0 : i32
      %dma_start3A_673 = tpu.memref_slice %arg10[%dma_start3A_671, %dma_start3A_672] : memref<400x64xf32, #tpu.memory_space<vmem>> -> memref<80x64xf32, #tpu.memory_space<vmem>>
      %dma_start3A_674 = arith.constant 0 : i32
      %dma_start3A_675 = tpu.memref_slice %arg7[%add3A_670, %dma_start3A_674] : memref<320x80xi32, #tpu.memory_space<vmem>> -> memref<1x80xi32, #tpu.memory_space<vmem>>
      %dma_start3A_676 = tpu.memref_squeeze %dma_start3A_675 : memref<1x80xi32, #tpu.memory_space<vmem>> -> memref<80xi32, #tpu.memory_space<vmem>>
      %dma_start3A_677 = arith.constant 0 : i32
      %dma_start3A_678 = arith.constant 0 : i32
      %dma_start3A_679 = tpu.memref_slice %arg3[%dma_start3A_677, %dma_start3A_678] : memref<1000000x64xf32, #tpu.memory_space<hbm>> -> memref<1000000x64xf32, #tpu.memory_space<hbm>>
      tpu.enqueue_indirect_dma source(%dma_start3A_679 : memref<1000000x64xf32, #tpu.memory_space<hbm>>) target(%dma_start3A_673 : memref<80x64xf32, #tpu.memory_space<vmem>>) offsets(%dma_start3A_676 : memref<80xi32, #tpu.memory_space<vmem>>) semaphore(%arg16 : memref<!tpu.dma_semaphore, #tpu.memory_space<semaphore_mem>>) {add = true}
      %dma_wait3A_680 = arith.constant 0 : i32
      %dma_wait3A_681 = arith.constant 0 : i32
      %dma_wait3A_682 = tpu.memref_slice %arg5[%dma_wait3A_680, %dma_wait3A_681] : memref<819200x64xf32, #tpu.memory_space<hbm>> -> memref<400x64xf32, #tpu.memory_space<hbm>>
      %dma_wait3A_683 = arith.constant 0 : i32
      %dma_wait3A_684 = arith.constant 0 : i32
      %dma_wait3A_685 = tpu.memref_slice %arg5[%dma_wait3A_683, %dma_wait3A_684] : memref<819200x64xf32, #tpu.memory_space<hbm>> -> memref<400x64xf32, #tpu.memory_space<hbm>>
      tpu.wait_dma2 semaphore(%arg17 : memref<!tpu.dma_semaphore, #tpu.memory_space<semaphore_mem>>) src(%dma_wait3A_685 : memref<400x64xf32, #tpu.memory_space<hbm>>) dst(%arg8 : memref<400x64xf32, #tpu.memory_space<vmem>>)
      tpu.enqueue_dma source(%arg6 : memref<400x64xf32, #tpu.memory_space<vmem_shared>>) target(%arg8 : memref<400x64xf32, #tpu.memory_space<vmem>>) target_semaphore(%arg11 : memref<!tpu.dma_semaphore, #tpu.memory_space<semaphore_mem>>)
      %add3A_686 = arith.constant 2 : i32
      %add3A_687 = arith.addi %mul3A_505, %add3A_686 : i32
      %dma_wait3A_688 = arith.constant 0 : i32
      %dma_wait3A_689 = arith.constant 0 : i32
      %dma_wait3A_690 = tpu.memref_slice %arg5[%dma_wait3A_688, %dma_wait3A_689] : memref<819200x64xf32, #tpu.memory_space<hbm>> -> memref<400x64xf32, #tpu.memory_space<hbm>>
      %dma_wait3A_691 = arith.constant 0 : i32
      %dma_wait3A_692 = arith.constant 0 : i32
      %dma_wait3A_693 = tpu.memref_slice %arg5[%dma_wait3A_691, %dma_wait3A_692] : memref<819200x64xf32, #tpu.memory_space<hbm>> -> memref<400x64xf32, #tpu.memory_space<hbm>>
      tpu.wait_dma2 semaphore(%arg16 : memref<!tpu.dma_semaphore, #tpu.memory_space<semaphore_mem>>) src(%dma_wait3A_693 : memref<400x64xf32, #tpu.memory_space<hbm>>) dst(%arg10 : memref<400x64xf32, #tpu.memory_space<vmem>>)
      %mul3A_694 = arith.constant 25600 : i32
      %mul3A_695 = arith.muli %add3A, %mul3A_694 : i32
      %mul3A_696 = arith.constant 400 : i32
      %mul3A_697 = arith.muli %add3A_687, %mul3A_696 : i32
      %add3A_698 = arith.addi %mul3A_695, %mul3A_697 : i32
      %dma_start3A_699 = arith.constant 0 : i32
      %dma_start3A_700 = tpu.memref_slice %arg5[%add3A_698, %dma_start3A_699] : memref<819200x64xf32, #tpu.memory_space<hbm>> -> memref<400x64xf32, #tpu.memory_space<hbm>>
      %dma_start3A_701 = arith.constant 0 : i32
      %dma_start3A_702 = tpu.memref_slice %arg5[%add3A_698, %dma_start3A_701] : memref<819200x64xf32, #tpu.memory_space<hbm>> -> memref<400x64xf32, #tpu.memory_space<hbm>>
      tpu.enqueue_dma source(%arg10 : memref<400x64xf32, #tpu.memory_space<vmem>>) target(%dma_start3A_702 : memref<400x64xf32, #tpu.memory_space<hbm>>) target_semaphore(%arg19 : memref<!tpu.dma_semaphore, #tpu.memory_space<semaphore_mem>>)
      tpu.wait_dma2 semaphore(%arg11 : memref<!tpu.dma_semaphore, #tpu.memory_space<semaphore_mem>>) src(%arg6 : memref<400x64xf32, #tpu.memory_space<vmem_shared>>) dst(%arg8 : memref<400x64xf32, #tpu.memory_space<vmem>>)
      %add3A_703 = arith.constant 1 : i32
      %add3A_704 = arith.addi %add3A_687, %add3A_703 : i32
      %mul3A_705 = arith.constant 5 : i32
      %mul3A_706 = arith.muli %add3A_704, %mul3A_705 : i32
      %add3A_707 = arith.constant 0 : i32
      %add3A_708 = arith.addi %mul3A_706, %add3A_707 : i32
      %dma_start3A_709 = arith.constant 0 : i32
      %dma_start3A_710 = arith.constant 0 : i32
      %dma_start3A_711 = tpu.memref_slice %arg8[%dma_start3A_709, %dma_start3A_710] : memref<400x64xf32, #tpu.memory_space<vmem>> -> memref<80x64xf32, #tpu.memory_space<vmem>>
      %dma_start3A_712 = arith.constant 0 : i32
      %dma_start3A_713 = tpu.memref_slice %arg7[%add3A_708, %dma_start3A_712] : memref<320x80xi32, #tpu.memory_space<vmem>> -> memref<1x80xi32, #tpu.memory_space<vmem>>
      %dma_start3A_714 = tpu.memref_squeeze %dma_start3A_713 : memref<1x80xi32, #tpu.memory_space<vmem>> -> memref<80xi32, #tpu.memory_space<vmem>>
      %dma_start3A_715 = arith.constant 0 : i32
      %dma_start3A_716 = arith.constant 0 : i32
      %dma_start3A_717 = tpu.memref_slice %arg3[%dma_start3A_715, %dma_start3A_716] : memref<1000000x64xf32, #tpu.memory_space<hbm>> -> memref<1000000x64xf32, #tpu.memory_space<hbm>>
      tpu.enqueue_indirect_dma source(%dma_start3A_717 : memref<1000000x64xf32, #tpu.memory_space<hbm>>) target(%dma_start3A_711 : memref<80x64xf32, #tpu.memory_space<vmem>>) offsets(%dma_start3A_714 : memref<80xi32, #tpu.memory_space<vmem>>) semaphore(%arg14 : memref<!tpu.dma_semaphore, #tpu.memory_space<semaphore_mem>>) {add = true}
      %mul3A_718 = arith.constant 5 : i32
      %mul3A_719 = arith.muli %add3A_704, %mul3A_718 : i32
      %add3A_720 = arith.constant 1 : i32
      %add3A_721 = arith.addi %mul3A_719, %add3A_720 : i32
      %dma_start3A_722 = arith.constant 80 : i32
      %dma_start3A_723 = arith.constant 0 : i32
      %dma_start3A_724 = tpu.memref_slice %arg8[%dma_start3A_722, %dma_start3A_723] : memref<400x64xf32, #tpu.memory_space<vmem>> -> memref<80x64xf32, #tpu.memory_space<vmem>>
      %dma_start3A_725 = arith.constant 0 : i32
      %dma_start3A_726 = tpu.memref_slice %arg7[%add3A_721, %dma_start3A_725] : memref<320x80xi32, #tpu.memory_space<vmem>> -> memref<1x80xi32, #tpu.memory_space<vmem>>
      %dma_start3A_727 = tpu.memref_squeeze %dma_start3A_726 : memref<1x80xi32, #tpu.memory_space<vmem>> -> memref<80xi32, #tpu.memory_space<vmem>>
      %dma_start3A_728 = arith.constant 0 : i32
      %dma_start3A_729 = arith.constant 0 : i32
      %dma_start3A_730 = tpu.memref_slice %arg3[%dma_start3A_728, %dma_start3A_729] : memref<1000000x64xf32, #tpu.memory_space<hbm>> -> memref<1000000x64xf32, #tpu.memory_space<hbm>>
      tpu.enqueue_indirect_dma source(%dma_start3A_730 : memref<1000000x64xf32, #tpu.memory_space<hbm>>) target(%dma_start3A_724 : memref<80x64xf32, #tpu.memory_space<vmem>>) offsets(%dma_start3A_727 : memref<80xi32, #tpu.memory_space<vmem>>) semaphore(%arg14 : memref<!tpu.dma_semaphore, #tpu.memory_space<semaphore_mem>>) {add = true}
      %mul3A_731 = arith.constant 5 : i32
      %mul3A_732 = arith.muli %add3A_704, %mul3A_731 : i32
      %add3A_733 = arith.constant 2 : i32
      %add3A_734 = arith.addi %mul3A_732, %add3A_733 : i32
      %dma_start3A_735 = arith.constant 160 : i32
      %dma_start3A_736 = arith.constant 0 : i32
      %dma_start3A_737 = tpu.memref_slice %arg8[%dma_start3A_735, %dma_start3A_736] : memref<400x64xf32, #tpu.memory_space<vmem>> -> memref<80x64xf32, #tpu.memory_space<vmem>>
      %dma_start3A_738 = arith.constant 0 : i32
      %dma_start3A_739 = tpu.memref_slice %arg7[%add3A_734, %dma_start3A_738] : memref<320x80xi32, #tpu.memory_space<vmem>> -> memref<1x80xi32, #tpu.memory_space<vmem>>
      %dma_start3A_740 = tpu.memref_squeeze %dma_start3A_739 : memref<1x80xi32, #tpu.memory_space<vmem>> -> memref<80xi32, #tpu.memory_space<vmem>>
      %dma_start3A_741 = arith.constant 0 : i32
      %dma_start3A_742 = arith.constant 0 : i32
      %dma_start3A_743 = tpu.memref_slice %arg3[%dma_start3A_741, %dma_start3A_742] : memref<1000000x64xf32, #tpu.memory_space<hbm>> -> memref<1000000x64xf32, #tpu.memory_space<hbm>>
      tpu.enqueue_indirect_dma source(%dma_start3A_743 : memref<1000000x64xf32, #tpu.memory_space<hbm>>) target(%dma_start3A_737 : memref<80x64xf32, #tpu.memory_space<vmem>>) offsets(%dma_start3A_740 : memref<80xi32, #tpu.memory_space<vmem>>) semaphore(%arg14 : memref<!tpu.dma_semaphore, #tpu.memory_space<semaphore_mem>>) {add = true}
      %mul3A_744 = arith.constant 5 : i32
      %mul3A_745 = arith.muli %add3A_704, %mul3A_744 : i32
      %add3A_746 = arith.constant 3 : i32
      %add3A_747 = arith.addi %mul3A_745, %add3A_746 : i32
      %dma_start3A_748 = arith.constant 240 : i32
      %dma_start3A_749 = arith.constant 0 : i32
      %dma_start3A_750 = tpu.memref_slice %arg8[%dma_start3A_748, %dma_start3A_749] : memref<400x64xf32, #tpu.memory_space<vmem>> -> memref<80x64xf32, #tpu.memory_space<vmem>>
      %dma_start3A_751 = arith.constant 0 : i32
      %dma_start3A_752 = tpu.memref_slice %arg7[%add3A_747, %dma_start3A_751] : memref<320x80xi32, #tpu.memory_space<vmem>> -> memref<1x80xi32, #tpu.memory_space<vmem>>
      %dma_start3A_753 = tpu.memref_squeeze %dma_start3A_752 : memref<1x80xi32, #tpu.memory_space<vmem>> -> memref<80xi32, #tpu.memory_space<vmem>>
      %dma_start3A_754 = arith.constant 0 : i32
      %dma_start3A_755 = arith.constant 0 : i32
      %dma_start3A_756 = tpu.memref_slice %arg3[%dma_start3A_754, %dma_start3A_755] : memref<1000000x64xf32, #tpu.memory_space<hbm>> -> memref<1000000x64xf32, #tpu.memory_space<hbm>>
      tpu.enqueue_indirect_dma source(%dma_start3A_756 : memref<1000000x64xf32, #tpu.memory_space<hbm>>) target(%dma_start3A_750 : memref<80x64xf32, #tpu.memory_space<vmem>>) offsets(%dma_start3A_753 : memref<80xi32, #tpu.memory_space<vmem>>) semaphore(%arg14 : memref<!tpu.dma_semaphore, #tpu.memory_space<semaphore_mem>>) {add = true}
      %mul3A_757 = arith.constant 5 : i32
      %mul3A_758 = arith.muli %add3A_704, %mul3A_757 : i32
      %add3A_759 = arith.constant 4 : i32
      %add3A_760 = arith.addi %mul3A_758, %add3A_759 : i32
      %dma_start3A_761 = arith.constant 320 : i32
      %dma_start3A_762 = arith.constant 0 : i32
      %dma_start3A_763 = tpu.memref_slice %arg8[%dma_start3A_761, %dma_start3A_762] : memref<400x64xf32, #tpu.memory_space<vmem>> -> memref<80x64xf32, #tpu.memory_space<vmem>>
      %dma_start3A_764 = arith.constant 0 : i32
      %dma_start3A_765 = tpu.memref_slice %arg7[%add3A_760, %dma_start3A_764] : memref<320x80xi32, #tpu.memory_space<vmem>> -> memref<1x80xi32, #tpu.memory_space<vmem>>
      %dma_start3A_766 = tpu.memref_squeeze %dma_start3A_765 : memref<1x80xi32, #tpu.memory_space<vmem>> -> memref<80xi32, #tpu.memory_space<vmem>>
      %dma_start3A_767 = arith.constant 0 : i32
      %dma_start3A_768 = arith.constant 0 : i32
      %dma_start3A_769 = tpu.memref_slice %arg3[%dma_start3A_767, %dma_start3A_768] : memref<1000000x64xf32, #tpu.memory_space<hbm>> -> memref<1000000x64xf32, #tpu.memory_space<hbm>>
      tpu.enqueue_indirect_dma source(%dma_start3A_769 : memref<1000000x64xf32, #tpu.memory_space<hbm>>) target(%dma_start3A_763 : memref<80x64xf32, #tpu.memory_space<vmem>>) offsets(%dma_start3A_766 : memref<80xi32, #tpu.memory_space<vmem>>) semaphore(%arg14 : memref<!tpu.dma_semaphore, #tpu.memory_space<semaphore_mem>>) {add = true}
      %dma_wait3A_770 = arith.constant 0 : i32
      %dma_wait3A_771 = arith.constant 0 : i32
      %dma_wait3A_772 = tpu.memref_slice %arg5[%dma_wait3A_770, %dma_wait3A_771] : memref<819200x64xf32, #tpu.memory_space<hbm>> -> memref<400x64xf32, #tpu.memory_space<hbm>>
      %dma_wait3A_773 = arith.constant 0 : i32
      %dma_wait3A_774 = arith.constant 0 : i32
      %dma_wait3A_775 = tpu.memref_slice %arg5[%dma_wait3A_773, %dma_wait3A_774] : memref<819200x64xf32, #tpu.memory_space<hbm>> -> memref<400x64xf32, #tpu.memory_space<hbm>>
      tpu.wait_dma2 semaphore(%arg18 : memref<!tpu.dma_semaphore, #tpu.memory_space<semaphore_mem>>) src(%dma_wait3A_775 : memref<400x64xf32, #tpu.memory_space<hbm>>) dst(%arg9 : memref<400x64xf32, #tpu.memory_space<vmem>>)
      tpu.enqueue_dma source(%arg6 : memref<400x64xf32, #tpu.memory_space<vmem_shared>>) target(%arg9 : memref<400x64xf32, #tpu.memory_space<vmem>>) target_semaphore(%arg12 : memref<!tpu.dma_semaphore, #tpu.memory_space<semaphore_mem>>)
    }
    %scan3A_262 = arith.constant 19 : i32
    %dma_wait3A_263 = arith.constant 0 : i32
    %dma_wait3A_264 = arith.constant 0 : i32
    %dma_wait3A_265 = tpu.memref_slice %arg5[%dma_wait3A_263, %dma_wait3A_264] : memref<819200x64xf32, #tpu.memory_space<hbm>> -> memref<400x64xf32, #tpu.memory_space<hbm>>
    %dma_wait3A_266 = arith.constant 0 : i32
    %dma_wait3A_267 = arith.constant 0 : i32
    %dma_wait3A_268 = tpu.memref_slice %arg5[%dma_wait3A_266, %dma_wait3A_267] : memref<819200x64xf32, #tpu.memory_space<hbm>> -> memref<400x64xf32, #tpu.memory_space<hbm>>
    tpu.wait_dma2 semaphore(%arg14 : memref<!tpu.dma_semaphore, #tpu.memory_space<semaphore_mem>>) src(%dma_wait3A_268 : memref<400x64xf32, #tpu.memory_space<hbm>>) dst(%arg8 : memref<400x64xf32, #tpu.memory_space<vmem>>)
    %mul3A_269 = arith.constant 25600 : i32
    %mul3A_270 = arith.muli %add3A, %mul3A_269 : i32
    %add3A_271 = arith.constant 24000 : i32
    %add3A_272 = arith.addi %mul3A_270, %add3A_271 : i32
    %dma_start3A_273 = arith.constant 0 : i32
    %dma_start3A_274 = tpu.memref_slice %arg5[%add3A_272, %dma_start3A_273] : memref<819200x64xf32, #tpu.memory_space<hbm>> -> memref<400x64xf32, #tpu.memory_space<hbm>>
    %dma_start3A_275 = arith.constant 0 : i32
    %dma_start3A_276 = tpu.memref_slice %arg5[%add3A_272, %dma_start3A_275] : memref<819200x64xf32, #tpu.memory_space<hbm>> -> memref<400x64xf32, #tpu.memory_space<hbm>>
    tpu.enqueue_dma source(%arg8 : memref<400x64xf32, #tpu.memory_space<vmem>>) target(%dma_start3A_276 : memref<400x64xf32, #tpu.memory_space<hbm>>) target_semaphore(%arg17 : memref<!tpu.dma_semaphore, #tpu.memory_space<semaphore_mem>>)
    tpu.wait_dma2 semaphore(%arg12 : memref<!tpu.dma_semaphore, #tpu.memory_space<semaphore_mem>>) src(%arg6 : memref<400x64xf32, #tpu.memory_space<vmem_shared>>) dst(%arg9 : memref<400x64xf32, #tpu.memory_space<vmem>>)
    %dma_start3A_277 = arith.constant 305 : i32
    %dma_start3A_278 = arith.constant 0 : i32
    %dma_start3A_279 = arith.constant 0 : i32
    %dma_start3A_280 = tpu.memref_slice %arg9[%dma_start3A_278, %dma_start3A_279] : memref<400x64xf32, #tpu.memory_space<vmem>> -> memref<80x64xf32, #tpu.memory_space<vmem>>
    %dma_start3A_281 = arith.constant 0 : i32
    %dma_start3A_282 = tpu.memref_slice %arg7[%dma_start3A_277, %dma_start3A_281] : memref<320x80xi32, #tpu.memory_space<vmem>> -> memref<1x80xi32, #tpu.memory_space<vmem>>
    %dma_start3A_283 = tpu.memref_squeeze %dma_start3A_282 : memref<1x80xi32, #tpu.memory_space<vmem>> -> memref<80xi32, #tpu.memory_space<vmem>>
    %dma_start3A_284 = arith.constant 0 : i32
    %dma_start3A_285 = arith.constant 0 : i32
    %dma_start3A_286 = tpu.memref_slice %arg3[%dma_start3A_284, %dma_start3A_285] : memref<1000000x64xf32, #tpu.memory_space<hbm>> -> memref<1000000x64xf32, #tpu.memory_space<hbm>>
    tpu.enqueue_indirect_dma source(%dma_start3A_286 : memref<1000000x64xf32, #tpu.memory_space<hbm>>) target(%dma_start3A_280 : memref<80x64xf32, #tpu.memory_space<vmem>>) offsets(%dma_start3A_283 : memref<80xi32, #tpu.memory_space<vmem>>) semaphore(%arg15 : memref<!tpu.dma_semaphore, #tpu.memory_space<semaphore_mem>>) {add = true}
    %dma_start3A_287 = arith.constant 306 : i32
    %dma_start3A_288 = arith.constant 80 : i32
    %dma_start3A_289 = arith.constant 0 : i32
    %dma_start3A_290 = tpu.memref_slice %arg9[%dma_start3A_288, %dma_start3A_289] : memref<400x64xf32, #tpu.memory_space<vmem>> -> memref<80x64xf32, #tpu.memory_space<vmem>>
    %dma_start3A_291 = arith.constant 0 : i32
    %dma_start3A_292 = tpu.memref_slice %arg7[%dma_start3A_287, %dma_start3A_291] : memref<320x80xi32, #tpu.memory_space<vmem>> -> memref<1x80xi32, #tpu.memory_space<vmem>>
    %dma_start3A_293 = tpu.memref_squeeze %dma_start3A_292 : memref<1x80xi32, #tpu.memory_space<vmem>> -> memref<80xi32, #tpu.memory_space<vmem>>
    %dma_start3A_294 = arith.constant 0 : i32
    %dma_start3A_295 = arith.constant 0 : i32
    %dma_start3A_296 = tpu.memref_slice %arg3[%dma_start3A_294, %dma_start3A_295] : memref<1000000x64xf32, #tpu.memory_space<hbm>> -> memref<1000000x64xf32, #tpu.memory_space<hbm>>
    tpu.enqueue_indirect_dma source(%dma_start3A_296 : memref<1000000x64xf32, #tpu.memory_space<hbm>>) target(%dma_start3A_290 : memref<80x64xf32, #tpu.memory_space<vmem>>) offsets(%dma_start3A_293 : memref<80xi32, #tpu.memory_space<vmem>>) semaphore(%arg15 : memref<!tpu.dma_semaphore, #tpu.memory_space<semaphore_mem>>) {add = true}
    %dma_start3A_297 = arith.constant 307 : i32
    %dma_start3A_298 = arith.constant 160 : i32
    %dma_start3A_299 = arith.constant 0 : i32
    %dma_start3A_300 = tpu.memref_slice %arg9[%dma_start3A_298, %dma_start3A_299] : memref<400x64xf32, #tpu.memory_space<vmem>> -> memref<80x64xf32, #tpu.memory_space<vmem>>
    %dma_start3A_301 = arith.constant 0 : i32
    %dma_start3A_302 = tpu.memref_slice %arg7[%dma_start3A_297, %dma_start3A_301] : memref<320x80xi32, #tpu.memory_space<vmem>> -> memref<1x80xi32, #tpu.memory_space<vmem>>
    %dma_start3A_303 = tpu.memref_squeeze %dma_start3A_302 : memref<1x80xi32, #tpu.memory_space<vmem>> -> memref<80xi32, #tpu.memory_space<vmem>>
    %dma_start3A_304 = arith.constant 0 : i32
    %dma_start3A_305 = arith.constant 0 : i32
    %dma_start3A_306 = tpu.memref_slice %arg3[%dma_start3A_304, %dma_start3A_305] : memref<1000000x64xf32, #tpu.memory_space<hbm>> -> memref<1000000x64xf32, #tpu.memory_space<hbm>>
    tpu.enqueue_indirect_dma source(%dma_start3A_306 : memref<1000000x64xf32, #tpu.memory_space<hbm>>) target(%dma_start3A_300 : memref<80x64xf32, #tpu.memory_space<vmem>>) offsets(%dma_start3A_303 : memref<80xi32, #tpu.memory_space<vmem>>) semaphore(%arg15 : memref<!tpu.dma_semaphore, #tpu.memory_space<semaphore_mem>>) {add = true}
    %dma_start3A_307 = arith.constant 308 : i32
    %dma_start3A_308 = arith.constant 240 : i32
    %dma_start3A_309 = arith.constant 0 : i32
    %dma_start3A_310 = tpu.memref_slice %arg9[%dma_start3A_308, %dma_start3A_309] : memref<400x64xf32, #tpu.memory_space<vmem>> -> memref<80x64xf32, #tpu.memory_space<vmem>>
    %dma_start3A_311 = arith.constant 0 : i32
    %dma_start3A_312 = tpu.memref_slice %arg7[%dma_start3A_307, %dma_start3A_311] : memref<320x80xi32, #tpu.memory_space<vmem>> -> memref<1x80xi32, #tpu.memory_space<vmem>>
    %dma_start3A_313 = tpu.memref_squeeze %dma_start3A_312 : memref<1x80xi32, #tpu.memory_space<vmem>> -> memref<80xi32, #tpu.memory_space<vmem>>
    %dma_start3A_314 = arith.constant 0 : i32
    %dma_start3A_315 = arith.constant 0 : i32
    %dma_start3A_316 = tpu.memref_slice %arg3[%dma_start3A_314, %dma_start3A_315] : memref<1000000x64xf32, #tpu.memory_space<hbm>> -> memref<1000000x64xf32, #tpu.memory_space<hbm>>
    tpu.enqueue_indirect_dma source(%dma_start3A_316 : memref<1000000x64xf32, #tpu.memory_space<hbm>>) target(%dma_start3A_310 : memref<80x64xf32, #tpu.memory_space<vmem>>) offsets(%dma_start3A_313 : memref<80xi32, #tpu.memory_space<vmem>>) semaphore(%arg15 : memref<!tpu.dma_semaphore, #tpu.memory_space<semaphore_mem>>) {add = true}
    %dma_start3A_317 = arith.constant 309 : i32
    %dma_start3A_318 = arith.constant 320 : i32
    %dma_start3A_319 = arith.constant 0 : i32
    %dma_start3A_320 = tpu.memref_slice %arg9[%dma_start3A_318, %dma_start3A_319] : memref<400x64xf32, #tpu.memory_space<vmem>> -> memref<80x64xf32, #tpu.memory_space<vmem>>
    %dma_start3A_321 = arith.constant 0 : i32
    %dma_start3A_322 = tpu.memref_slice %arg7[%dma_start3A_317, %dma_start3A_321] : memref<320x80xi32, #tpu.memory_space<vmem>> -> memref<1x80xi32, #tpu.memory_space<vmem>>
    %dma_start3A_323 = tpu.memref_squeeze %dma_start3A_322 : memref<1x80xi32, #tpu.memory_space<vmem>> -> memref<80xi32, #tpu.memory_space<vmem>>
    %dma_start3A_324 = arith.constant 0 : i32
    %dma_start3A_325 = arith.constant 0 : i32
    %dma_start3A_326 = tpu.memref_slice %arg3[%dma_start3A_324, %dma_start3A_325] : memref<1000000x64xf32, #tpu.memory_space<hbm>> -> memref<1000000x64xf32, #tpu.memory_space<hbm>>
    tpu.enqueue_indirect_dma source(%dma_start3A_326 : memref<1000000x64xf32, #tpu.memory_space<hbm>>) target(%dma_start3A_320 : memref<80x64xf32, #tpu.memory_space<vmem>>) offsets(%dma_start3A_323 : memref<80xi32, #tpu.memory_space<vmem>>) semaphore(%arg15 : memref<!tpu.dma_semaphore, #tpu.memory_space<semaphore_mem>>) {add = true}
    %dma_wait3A_327 = arith.constant 0 : i32
    %dma_wait3A_328 = arith.constant 0 : i32
    %dma_wait3A_329 = tpu.memref_slice %arg5[%dma_wait3A_327, %dma_wait3A_328] : memref<819200x64xf32, #tpu.memory_space<hbm>> -> memref<400x64xf32, #tpu.memory_space<hbm>>
    %dma_wait3A_330 = arith.constant 0 : i32
    %dma_wait3A_331 = arith.constant 0 : i32
    %dma_wait3A_332 = tpu.memref_slice %arg5[%dma_wait3A_330, %dma_wait3A_331] : memref<819200x64xf32, #tpu.memory_space<hbm>> -> memref<400x64xf32, #tpu.memory_space<hbm>>
    tpu.wait_dma2 semaphore(%arg19 : memref<!tpu.dma_semaphore, #tpu.memory_space<semaphore_mem>>) src(%dma_wait3A_332 : memref<400x64xf32, #tpu.memory_space<hbm>>) dst(%arg10 : memref<400x64xf32, #tpu.memory_space<vmem>>)
    tpu.enqueue_dma source(%arg6 : memref<400x64xf32, #tpu.memory_space<vmem_shared>>) target(%arg10 : memref<400x64xf32, #tpu.memory_space<vmem>>) target_semaphore(%arg13 : memref<!tpu.dma_semaphore, #tpu.memory_space<semaphore_mem>>)
    %dma_wait3A_333 = arith.constant 0 : i32
    %dma_wait3A_334 = arith.constant 0 : i32
    %dma_wait3A_335 = tpu.memref_slice %arg5[%dma_wait3A_333, %dma_wait3A_334] : memref<819200x64xf32, #tpu.memory_space<hbm>> -> memref<400x64xf32, #tpu.memory_space<hbm>>
    %dma_wait3A_336 = arith.constant 0 : i32
    %dma_wait3A_337 = arith.constant 0 : i32
    %dma_wait3A_338 = tpu.memref_slice %arg5[%dma_wait3A_336, %dma_wait3A_337] : memref<819200x64xf32, #tpu.memory_space<hbm>> -> memref<400x64xf32, #tpu.memory_space<hbm>>
    tpu.wait_dma2 semaphore(%arg15 : memref<!tpu.dma_semaphore, #tpu.memory_space<semaphore_mem>>) src(%dma_wait3A_338 : memref<400x64xf32, #tpu.memory_space<hbm>>) dst(%arg9 : memref<400x64xf32, #tpu.memory_space<vmem>>)
    %mul3A_339 = arith.constant 25600 : i32
    %mul3A_340 = arith.muli %add3A, %mul3A_339 : i32
    %add3A_341 = arith.constant 24400 : i32
    %add3A_342 = arith.addi %mul3A_340, %add3A_341 : i32
    %dma_start3A_343 = arith.constant 0 : i32
    %dma_start3A_344 = tpu.memref_slice %arg5[%add3A_342, %dma_start3A_343] : memref<819200x64xf32, #tpu.memory_space<hbm>> -> memref<400x64xf32, #tpu.memory_space<hbm>>
    %dma_start3A_345 = arith.constant 0 : i32
    %dma_start3A_346 = tpu.memref_slice %arg5[%add3A_342, %dma_start3A_345] : memref<819200x64xf32, #tpu.memory_space<hbm>> -> memref<400x64xf32, #tpu.memory_space<hbm>>
    tpu.enqueue_dma source(%arg9 : memref<400x64xf32, #tpu.memory_space<vmem>>) target(%dma_start3A_346 : memref<400x64xf32, #tpu.memory_space<hbm>>) target_semaphore(%arg18 : memref<!tpu.dma_semaphore, #tpu.memory_space<semaphore_mem>>)
    tpu.wait_dma2 semaphore(%arg13 : memref<!tpu.dma_semaphore, #tpu.memory_space<semaphore_mem>>) src(%arg6 : memref<400x64xf32, #tpu.memory_space<vmem_shared>>) dst(%arg10 : memref<400x64xf32, #tpu.memory_space<vmem>>)
    %dma_start3A_347 = arith.constant 310 : i32
    %dma_start3A_348 = arith.constant 0 : i32
    %dma_start3A_349 = arith.constant 0 : i32
    %dma_start3A_350 = tpu.memref_slice %arg10[%dma_start3A_348, %dma_start3A_349] : memref<400x64xf32, #tpu.memory_space<vmem>> -> memref<80x64xf32, #tpu.memory_space<vmem>>
    %dma_start3A_351 = arith.constant 0 : i32
    %dma_start3A_352 = tpu.memref_slice %arg7[%dma_start3A_347, %dma_start3A_351] : memref<320x80xi32, #tpu.memory_space<vmem>> -> memref<1x80xi32, #tpu.memory_space<vmem>>
    %dma_start3A_353 = tpu.memref_squeeze %dma_start3A_352 : memref<1x80xi32, #tpu.memory_space<vmem>> -> memref<80xi32, #tpu.memory_space<vmem>>
    %dma_start3A_354 = arith.constant 0 : i32
    %dma_start3A_355 = arith.constant 0 : i32
    %dma_start3A_356 = tpu.memref_slice %arg3[%dma_start3A_354, %dma_start3A_355] : memref<1000000x64xf32, #tpu.memory_space<hbm>> -> memref<1000000x64xf32, #tpu.memory_space<hbm>>
    tpu.enqueue_indirect_dma source(%dma_start3A_356 : memref<1000000x64xf32, #tpu.memory_space<hbm>>) target(%dma_start3A_350 : memref<80x64xf32, #tpu.memory_space<vmem>>) offsets(%dma_start3A_353 : memref<80xi32, #tpu.memory_space<vmem>>) semaphore(%arg16 : memref<!tpu.dma_semaphore, #tpu.memory_space<semaphore_mem>>) {add = true}
    %dma_start3A_357 = arith.constant 311 : i32
    %dma_start3A_358 = arith.constant 80 : i32
    %dma_start3A_359 = arith.constant 0 : i32
    %dma_start3A_360 = tpu.memref_slice %arg10[%dma_start3A_358, %dma_start3A_359] : memref<400x64xf32, #tpu.memory_space<vmem>> -> memref<80x64xf32, #tpu.memory_space<vmem>>
    %dma_start3A_361 = arith.constant 0 : i32
    %dma_start3A_362 = tpu.memref_slice %arg7[%dma_start3A_357, %dma_start3A_361] : memref<320x80xi32, #tpu.memory_space<vmem>> -> memref<1x80xi32, #tpu.memory_space<vmem>>
    %dma_start3A_363 = tpu.memref_squeeze %dma_start3A_362 : memref<1x80xi32, #tpu.memory_space<vmem>> -> memref<80xi32, #tpu.memory_space<vmem>>
    %dma_start3A_364 = arith.constant 0 : i32
    %dma_start3A_365 = arith.constant 0 : i32
    %dma_start3A_366 = tpu.memref_slice %arg3[%dma_start3A_364, %dma_start3A_365] : memref<1000000x64xf32, #tpu.memory_space<hbm>> -> memref<1000000x64xf32, #tpu.memory_space<hbm>>
    tpu.enqueue_indirect_dma source(%dma_start3A_366 : memref<1000000x64xf32, #tpu.memory_space<hbm>>) target(%dma_start3A_360 : memref<80x64xf32, #tpu.memory_space<vmem>>) offsets(%dma_start3A_363 : memref<80xi32, #tpu.memory_space<vmem>>) semaphore(%arg16 : memref<!tpu.dma_semaphore, #tpu.memory_space<semaphore_mem>>) {add = true}
    %dma_start3A_367 = arith.constant 312 : i32
    %dma_start3A_368 = arith.constant 160 : i32
    %dma_start3A_369 = arith.constant 0 : i32
    %dma_start3A_370 = tpu.memref_slice %arg10[%dma_start3A_368, %dma_start3A_369] : memref<400x64xf32, #tpu.memory_space<vmem>> -> memref<80x64xf32, #tpu.memory_space<vmem>>
    %dma_start3A_371 = arith.constant 0 : i32
    %dma_start3A_372 = tpu.memref_slice %arg7[%dma_start3A_367, %dma_start3A_371] : memref<320x80xi32, #tpu.memory_space<vmem>> -> memref<1x80xi32, #tpu.memory_space<vmem>>
    %dma_start3A_373 = tpu.memref_squeeze %dma_start3A_372 : memref<1x80xi32, #tpu.memory_space<vmem>> -> memref<80xi32, #tpu.memory_space<vmem>>
    %dma_start3A_374 = arith.constant 0 : i32
    %dma_start3A_375 = arith.constant 0 : i32
    %dma_start3A_376 = tpu.memref_slice %arg3[%dma_start3A_374, %dma_start3A_375] : memref<1000000x64xf32, #tpu.memory_space<hbm>> -> memref<1000000x64xf32, #tpu.memory_space<hbm>>
    tpu.enqueue_indirect_dma source(%dma_start3A_376 : memref<1000000x64xf32, #tpu.memory_space<hbm>>) target(%dma_start3A_370 : memref<80x64xf32, #tpu.memory_space<vmem>>) offsets(%dma_start3A_373 : memref<80xi32, #tpu.memory_space<vmem>>) semaphore(%arg16 : memref<!tpu.dma_semaphore, #tpu.memory_space<semaphore_mem>>) {add = true}
    %dma_start3A_377 = arith.constant 313 : i32
    %dma_start3A_378 = arith.constant 240 : i32
    %dma_start3A_379 = arith.constant 0 : i32
    %dma_start3A_380 = tpu.memref_slice %arg10[%dma_start3A_378, %dma_start3A_379] : memref<400x64xf32, #tpu.memory_space<vmem>> -> memref<80x64xf32, #tpu.memory_space<vmem>>
    %dma_start3A_381 = arith.constant 0 : i32
    %dma_start3A_382 = tpu.memref_slice %arg7[%dma_start3A_377, %dma_start3A_381] : memref<320x80xi32, #tpu.memory_space<vmem>> -> memref<1x80xi32, #tpu.memory_space<vmem>>
    %dma_start3A_383 = tpu.memref_squeeze %dma_start3A_382 : memref<1x80xi32, #tpu.memory_space<vmem>> -> memref<80xi32, #tpu.memory_space<vmem>>
    %dma_start3A_384 = arith.constant 0 : i32
    %dma_start3A_385 = arith.constant 0 : i32
    %dma_start3A_386 = tpu.memref_slice %arg3[%dma_start3A_384, %dma_start3A_385] : memref<1000000x64xf32, #tpu.memory_space<hbm>> -> memref<1000000x64xf32, #tpu.memory_space<hbm>>
    tpu.enqueue_indirect_dma source(%dma_start3A_386 : memref<1000000x64xf32, #tpu.memory_space<hbm>>) target(%dma_start3A_380 : memref<80x64xf32, #tpu.memory_space<vmem>>) offsets(%dma_start3A_383 : memref<80xi32, #tpu.memory_space<vmem>>) semaphore(%arg16 : memref<!tpu.dma_semaphore, #tpu.memory_space<semaphore_mem>>) {add = true}
    %dma_start3A_387 = arith.constant 314 : i32
    %dma_start3A_388 = arith.constant 320 : i32
    %dma_start3A_389 = arith.constant 0 : i32
    %dma_start3A_390 = tpu.memref_slice %arg10[%dma_start3A_388, %dma_start3A_389] : memref<400x64xf32, #tpu.memory_space<vmem>> -> memref<80x64xf32, #tpu.memory_space<vmem>>
    %dma_start3A_391 = arith.constant 0 : i32
    %dma_start3A_392 = tpu.memref_slice %arg7[%dma_start3A_387, %dma_start3A_391] : memref<320x80xi32, #tpu.memory_space<vmem>> -> memref<1x80xi32, #tpu.memory_space<vmem>>
    %dma_start3A_393 = tpu.memref_squeeze %dma_start3A_392 : memref<1x80xi32, #tpu.memory_space<vmem>> -> memref<80xi32, #tpu.memory_space<vmem>>
    %dma_start3A_394 = arith.constant 0 : i32
    %dma_start3A_395 = arith.constant 0 : i32
    %dma_start3A_396 = tpu.memref_slice %arg3[%dma_start3A_394, %dma_start3A_395] : memref<1000000x64xf32, #tpu.memory_space<hbm>> -> memref<1000000x64xf32, #tpu.memory_space<hbm>>
    tpu.enqueue_indirect_dma source(%dma_start3A_396 : memref<1000000x64xf32, #tpu.memory_space<hbm>>) target(%dma_start3A_390 : memref<80x64xf32, #tpu.memory_space<vmem>>) offsets(%dma_start3A_393 : memref<80xi32, #tpu.memory_space<vmem>>) semaphore(%arg16 : memref<!tpu.dma_semaphore, #tpu.memory_space<semaphore_mem>>) {add = true}
    %dma_wait3A_397 = arith.constant 0 : i32
    %dma_wait3A_398 = arith.constant 0 : i32
    %dma_wait3A_399 = tpu.memref_slice %arg5[%dma_wait3A_397, %dma_wait3A_398] : memref<819200x64xf32, #tpu.memory_space<hbm>> -> memref<400x64xf32, #tpu.memory_space<hbm>>
    %dma_wait3A_400 = arith.constant 0 : i32
    %dma_wait3A_401 = arith.constant 0 : i32
    %dma_wait3A_402 = tpu.memref_slice %arg5[%dma_wait3A_400, %dma_wait3A_401] : memref<819200x64xf32, #tpu.memory_space<hbm>> -> memref<400x64xf32, #tpu.memory_space<hbm>>
    tpu.wait_dma2 semaphore(%arg17 : memref<!tpu.dma_semaphore, #tpu.memory_space<semaphore_mem>>) src(%dma_wait3A_402 : memref<400x64xf32, #tpu.memory_space<hbm>>) dst(%arg8 : memref<400x64xf32, #tpu.memory_space<vmem>>)
    tpu.enqueue_dma source(%arg6 : memref<400x64xf32, #tpu.memory_space<vmem_shared>>) target(%arg8 : memref<400x64xf32, #tpu.memory_space<vmem>>) target_semaphore(%arg11 : memref<!tpu.dma_semaphore, #tpu.memory_space<semaphore_mem>>)
    %dma_wait3A_403 = arith.constant 0 : i32
    %dma_wait3A_404 = arith.constant 0 : i32
    %dma_wait3A_405 = tpu.memref_slice %arg5[%dma_wait3A_403, %dma_wait3A_404] : memref<819200x64xf32, #tpu.memory_space<hbm>> -> memref<400x64xf32, #tpu.memory_space<hbm>>
    %dma_wait3A_406 = arith.constant 0 : i32
    %dma_wait3A_407 = arith.constant 0 : i32
    %dma_wait3A_408 = tpu.memref_slice %arg5[%dma_wait3A_406, %dma_wait3A_407] : memref<819200x64xf32, #tpu.memory_space<hbm>> -> memref<400x64xf32, #tpu.memory_space<hbm>>
    tpu.wait_dma2 semaphore(%arg16 : memref<!tpu.dma_semaphore, #tpu.memory_space<semaphore_mem>>) src(%dma_wait3A_408 : memref<400x64xf32, #tpu.memory_space<hbm>>) dst(%arg10 : memref<400x64xf32, #tpu.memory_space<vmem>>)
    %mul3A_409 = arith.constant 25600 : i32
    %mul3A_410 = arith.muli %add3A, %mul3A_409 : i32
    %add3A_411 = arith.constant 24800 : i32
    %add3A_412 = arith.addi %mul3A_410, %add3A_411 : i32
    %dma_start3A_413 = arith.constant 0 : i32
    %dma_start3A_414 = tpu.memref_slice %arg5[%add3A_412, %dma_start3A_413] : memref<819200x64xf32, #tpu.memory_space<hbm>> -> memref<400x64xf32, #tpu.memory_space<hbm>>
    %dma_start3A_415 = arith.constant 0 : i32
    %dma_start3A_416 = tpu.memref_slice %arg5[%add3A_412, %dma_start3A_415] : memref<819200x64xf32, #tpu.memory_space<hbm>> -> memref<400x64xf32, #tpu.memory_space<hbm>>
    tpu.enqueue_dma source(%arg10 : memref<400x64xf32, #tpu.memory_space<vmem>>) target(%dma_start3A_416 : memref<400x64xf32, #tpu.memory_space<hbm>>) target_semaphore(%arg19 : memref<!tpu.dma_semaphore, #tpu.memory_space<semaphore_mem>>)
    tpu.wait_dma2 semaphore(%arg11 : memref<!tpu.dma_semaphore, #tpu.memory_space<semaphore_mem>>) src(%arg6 : memref<400x64xf32, #tpu.memory_space<vmem_shared>>) dst(%arg8 : memref<400x64xf32, #tpu.memory_space<vmem>>)
    %dma_start3A_417 = arith.constant 315 : i32
    %dma_start3A_418 = arith.constant 0 : i32
    %dma_start3A_419 = arith.constant 0 : i32
    %dma_start3A_420 = tpu.memref_slice %arg8[%dma_start3A_418, %dma_start3A_419] : memref<400x64xf32, #tpu.memory_space<vmem>> -> memref<80x64xf32, #tpu.memory_space<vmem>>
    %dma_start3A_421 = arith.constant 0 : i32
    %dma_start3A_422 = tpu.memref_slice %arg7[%dma_start3A_417, %dma_start3A_421] : memref<320x80xi32, #tpu.memory_space<vmem>> -> memref<1x80xi32, #tpu.memory_space<vmem>>
    %dma_start3A_423 = tpu.memref_squeeze %dma_start3A_422 : memref<1x80xi32, #tpu.memory_space<vmem>> -> memref<80xi32, #tpu.memory_space<vmem>>
    %dma_start3A_424 = arith.constant 0 : i32
    %dma_start3A_425 = arith.constant 0 : i32
    %dma_start3A_426 = tpu.memref_slice %arg3[%dma_start3A_424, %dma_start3A_425] : memref<1000000x64xf32, #tpu.memory_space<hbm>> -> memref<1000000x64xf32, #tpu.memory_space<hbm>>
    tpu.enqueue_indirect_dma source(%dma_start3A_426 : memref<1000000x64xf32, #tpu.memory_space<hbm>>) target(%dma_start3A_420 : memref<80x64xf32, #tpu.memory_space<vmem>>) offsets(%dma_start3A_423 : memref<80xi32, #tpu.memory_space<vmem>>) semaphore(%arg14 : memref<!tpu.dma_semaphore, #tpu.memory_space<semaphore_mem>>) {add = true}
    %dma_start3A_427 = arith.constant 316 : i32
    %dma_start3A_428 = arith.constant 80 : i32
    %dma_start3A_429 = arith.constant 0 : i32
    %dma_start3A_430 = tpu.memref_slice %arg8[%dma_start3A_428, %dma_start3A_429] : memref<400x64xf32, #tpu.memory_space<vmem>> -> memref<80x64xf32, #tpu.memory_space<vmem>>
    %dma_start3A_431 = arith.constant 0 : i32
    %dma_start3A_432 = tpu.memref_slice %arg7[%dma_start3A_427, %dma_start3A_431] : memref<320x80xi32, #tpu.memory_space<vmem>> -> memref<1x80xi32, #tpu.memory_space<vmem>>
    %dma_start3A_433 = tpu.memref_squeeze %dma_start3A_432 : memref<1x80xi32, #tpu.memory_space<vmem>> -> memref<80xi32, #tpu.memory_space<vmem>>
    %dma_start3A_434 = arith.constant 0 : i32
    %dma_start3A_435 = arith.constant 0 : i32
    %dma_start3A_436 = tpu.memref_slice %arg3[%dma_start3A_434, %dma_start3A_435] : memref<1000000x64xf32, #tpu.memory_space<hbm>> -> memref<1000000x64xf32, #tpu.memory_space<hbm>>
    tpu.enqueue_indirect_dma source(%dma_start3A_436 : memref<1000000x64xf32, #tpu.memory_space<hbm>>) target(%dma_start3A_430 : memref<80x64xf32, #tpu.memory_space<vmem>>) offsets(%dma_start3A_433 : memref<80xi32, #tpu.memory_space<vmem>>) semaphore(%arg14 : memref<!tpu.dma_semaphore, #tpu.memory_space<semaphore_mem>>) {add = true}
    %dma_start3A_437 = arith.constant 317 : i32
    %dma_start3A_438 = arith.constant 160 : i32
    %dma_start3A_439 = arith.constant 0 : i32
    %dma_start3A_440 = tpu.memref_slice %arg8[%dma_start3A_438, %dma_start3A_439] : memref<400x64xf32, #tpu.memory_space<vmem>> -> memref<80x64xf32, #tpu.memory_space<vmem>>
    %dma_start3A_441 = arith.constant 0 : i32
    %dma_start3A_442 = tpu.memref_slice %arg7[%dma_start3A_437, %dma_start3A_441] : memref<320x80xi32, #tpu.memory_space<vmem>> -> memref<1x80xi32, #tpu.memory_space<vmem>>
    %dma_start3A_443 = tpu.memref_squeeze %dma_start3A_442 : memref<1x80xi32, #tpu.memory_space<vmem>> -> memref<80xi32, #tpu.memory_space<vmem>>
    %dma_start3A_444 = arith.constant 0 : i32
    %dma_start3A_445 = arith.constant 0 : i32
    %dma_start3A_446 = tpu.memref_slice %arg3[%dma_start3A_444, %dma_start3A_445] : memref<1000000x64xf32, #tpu.memory_space<hbm>> -> memref<1000000x64xf32, #tpu.memory_space<hbm>>
    tpu.enqueue_indirect_dma source(%dma_start3A_446 : memref<1000000x64xf32, #tpu.memory_space<hbm>>) target(%dma_start3A_440 : memref<80x64xf32, #tpu.memory_space<vmem>>) offsets(%dma_start3A_443 : memref<80xi32, #tpu.memory_space<vmem>>) semaphore(%arg14 : memref<!tpu.dma_semaphore, #tpu.memory_space<semaphore_mem>>) {add = true}
    %dma_start3A_447 = arith.constant 318 : i32
    %dma_start3A_448 = arith.constant 240 : i32
    %dma_start3A_449 = arith.constant 0 : i32
    %dma_start3A_450 = tpu.memref_slice %arg8[%dma_start3A_448, %dma_start3A_449] : memref<400x64xf32, #tpu.memory_space<vmem>> -> memref<80x64xf32, #tpu.memory_space<vmem>>
    %dma_start3A_451 = arith.constant 0 : i32
    %dma_start3A_452 = tpu.memref_slice %arg7[%dma_start3A_447, %dma_start3A_451] : memref<320x80xi32, #tpu.memory_space<vmem>> -> memref<1x80xi32, #tpu.memory_space<vmem>>
    %dma_start3A_453 = tpu.memref_squeeze %dma_start3A_452 : memref<1x80xi32, #tpu.memory_space<vmem>> -> memref<80xi32, #tpu.memory_space<vmem>>
    %dma_start3A_454 = arith.constant 0 : i32
    %dma_start3A_455 = arith.constant 0 : i32
    %dma_start3A_456 = tpu.memref_slice %arg3[%dma_start3A_454, %dma_start3A_455] : memref<1000000x64xf32, #tpu.memory_space<hbm>> -> memref<1000000x64xf32, #tpu.memory_space<hbm>>
    tpu.enqueue_indirect_dma source(%dma_start3A_456 : memref<1000000x64xf32, #tpu.memory_space<hbm>>) target(%dma_start3A_450 : memref<80x64xf32, #tpu.memory_space<vmem>>) offsets(%dma_start3A_453 : memref<80xi32, #tpu.memory_space<vmem>>) semaphore(%arg14 : memref<!tpu.dma_semaphore, #tpu.memory_space<semaphore_mem>>) {add = true}
    %dma_start3A_457 = arith.constant 319 : i32
    %dma_start3A_458 = arith.constant 320 : i32
    %dma_start3A_459 = arith.constant 0 : i32
    %dma_start3A_460 = tpu.memref_slice %arg8[%dma_start3A_458, %dma_start3A_459] : memref<400x64xf32, #tpu.memory_space<vmem>> -> memref<80x64xf32, #tpu.memory_space<vmem>>
    %dma_start3A_461 = arith.constant 0 : i32
    %dma_start3A_462 = tpu.memref_slice %arg7[%dma_start3A_457, %dma_start3A_461] : memref<320x80xi32, #tpu.memory_space<vmem>> -> memref<1x80xi32, #tpu.memory_space<vmem>>
    %dma_start3A_463 = tpu.memref_squeeze %dma_start3A_462 : memref<1x80xi32, #tpu.memory_space<vmem>> -> memref<80xi32, #tpu.memory_space<vmem>>
    %dma_start3A_464 = arith.constant 0 : i32
    %dma_start3A_465 = arith.constant 0 : i32
    %dma_start3A_466 = tpu.memref_slice %arg3[%dma_start3A_464, %dma_start3A_465] : memref<1000000x64xf32, #tpu.memory_space<hbm>> -> memref<1000000x64xf32, #tpu.memory_space<hbm>>
    tpu.enqueue_indirect_dma source(%dma_start3A_466 : memref<1000000x64xf32, #tpu.memory_space<hbm>>) target(%dma_start3A_460 : memref<80x64xf32, #tpu.memory_space<vmem>>) offsets(%dma_start3A_463 : memref<80xi32, #tpu.memory_space<vmem>>) semaphore(%arg14 : memref<!tpu.dma_semaphore, #tpu.memory_space<semaphore_mem>>) {add = true}
    %dma_wait3A_467 = arith.constant 0 : i32
    %dma_wait3A_468 = arith.constant 0 : i32
    %dma_wait3A_469 = tpu.memref_slice %arg5[%dma_wait3A_467, %dma_wait3A_468] : memref<819200x64xf32, #tpu.memory_space<hbm>> -> memref<400x64xf32, #tpu.memory_space<hbm>>
    %dma_wait3A_470 = arith.constant 0 : i32
    %dma_wait3A_471 = arith.constant 0 : i32
    %dma_wait3A_472 = tpu.memref_slice %arg5[%dma_wait3A_470, %dma_wait3A_471] : memref<819200x64xf32, #tpu.memory_space<hbm>> -> memref<400x64xf32, #tpu.memory_space<hbm>>
    tpu.wait_dma2 semaphore(%arg18 : memref<!tpu.dma_semaphore, #tpu.memory_space<semaphore_mem>>) src(%dma_wait3A_472 : memref<400x64xf32, #tpu.memory_space<hbm>>) dst(%arg9 : memref<400x64xf32, #tpu.memory_space<vmem>>)
    %dma_wait3A_473 = arith.constant 0 : i32
    %dma_wait3A_474 = arith.constant 0 : i32
    %dma_wait3A_475 = tpu.memref_slice %arg5[%dma_wait3A_473, %dma_wait3A_474] : memref<819200x64xf32, #tpu.memory_space<hbm>> -> memref<400x64xf32, #tpu.memory_space<hbm>>
    %dma_wait3A_476 = arith.constant 0 : i32
    %dma_wait3A_477 = arith.constant 0 : i32
    %dma_wait3A_478 = tpu.memref_slice %arg5[%dma_wait3A_476, %dma_wait3A_477] : memref<819200x64xf32, #tpu.memory_space<hbm>> -> memref<400x64xf32, #tpu.memory_space<hbm>>
    tpu.wait_dma2 semaphore(%arg14 : memref<!tpu.dma_semaphore, #tpu.memory_space<semaphore_mem>>) src(%dma_wait3A_478 : memref<400x64xf32, #tpu.memory_space<hbm>>) dst(%arg8 : memref<400x64xf32, #tpu.memory_space<vmem>>)
    %mul3A_479 = arith.constant 25600 : i32
    %mul3A_480 = arith.muli %add3A, %mul3A_479 : i32
    %add3A_481 = arith.constant 25200 : i32
    %add3A_482 = arith.addi %mul3A_480, %add3A_481 : i32
    %dma_start3A_483 = arith.constant 0 : i32
    %dma_start3A_484 = tpu.memref_slice %arg5[%add3A_482, %dma_start3A_483] : memref<819200x64xf32, #tpu.memory_space<hbm>> -> memref<400x64xf32, #tpu.memory_space<hbm>>
    %dma_start3A_485 = arith.constant 0 : i32
    %dma_start3A_486 = tpu.memref_slice %arg5[%add3A_482, %dma_start3A_485] : memref<819200x64xf32, #tpu.memory_space<hbm>> -> memref<400x64xf32, #tpu.memory_space<hbm>>
    tpu.enqueue_dma source(%arg8 : memref<400x64xf32, #tpu.memory_space<vmem>>) target(%dma_start3A_486 : memref<400x64xf32, #tpu.memory_space<hbm>>) target_semaphore(%arg17 : memref<!tpu.dma_semaphore, #tpu.memory_space<semaphore_mem>>)
    %dma_wait3A_487 = arith.constant 0 : i32
    %dma_wait3A_488 = arith.constant 0 : i32
    %dma_wait3A_489 = tpu.memref_slice %arg5[%dma_wait3A_487, %dma_wait3A_488] : memref<819200x64xf32, #tpu.memory_space<hbm>> -> memref<400x64xf32, #tpu.memory_space<hbm>>
    %dma_wait3A_490 = arith.constant 0 : i32
    %dma_wait3A_491 = arith.constant 0 : i32
    %dma_wait3A_492 = tpu.memref_slice %arg5[%dma_wait3A_490, %dma_wait3A_491] : memref<819200x64xf32, #tpu.memory_space<hbm>> -> memref<400x64xf32, #tpu.memory_space<hbm>>
    tpu.wait_dma2 semaphore(%arg19 : memref<!tpu.dma_semaphore, #tpu.memory_space<semaphore_mem>>) src(%dma_wait3A_492 : memref<400x64xf32, #tpu.memory_space<hbm>>) dst(%arg10 : memref<400x64xf32, #tpu.memory_space<vmem>>)
    %dma_wait3A_493 = arith.constant 0 : i32
    %dma_wait3A_494 = arith.constant 0 : i32
    %dma_wait3A_495 = tpu.memref_slice %arg5[%dma_wait3A_493, %dma_wait3A_494] : memref<819200x64xf32, #tpu.memory_space<hbm>> -> memref<400x64xf32, #tpu.memory_space<hbm>>
    %dma_wait3A_496 = arith.constant 0 : i32
    %dma_wait3A_497 = arith.constant 0 : i32
    %dma_wait3A_498 = tpu.memref_slice %arg5[%dma_wait3A_496, %dma_wait3A_497] : memref<819200x64xf32, #tpu.memory_space<hbm>> -> memref<400x64xf32, #tpu.memory_space<hbm>>
    tpu.wait_dma2 semaphore(%arg17 : memref<!tpu.dma_semaphore, #tpu.memory_space<semaphore_mem>>) src(%dma_wait3A_498 : memref<400x64xf32, #tpu.memory_space<hbm>>) dst(%arg8 : memref<400x64xf32, #tpu.memory_space<vmem>>)
    return
  }
}

</mosaic_0001>

<sc_bundles>
// kernel: _run.3.cloned.1.call-start
scs
__scs_entry_jumppad:
0x0: {  	(pc) =	sbr.rel $0x88, $3  }
0x1: {  	(tag) =	ssettag $0x0;
	lr =	simm.s32 $0x1  }
0x2: {  	[smem:$0x3F9E] =	sst lr;
	_ =	strace $0xD0000000  }
0x3: {  	_ = 	snop  }
0x4: {  	_ = 	snop  }
0x5: {  	_ = 	snop  }
0x6: {  	_ = 	snop  }
0x7: {  	_ = 	snop  }
__scs_overlays_trampoline_lowered:
0x8: {  	[smem:$0x3FAD] =	sst s0  }
0x9: {  	[smem:$0x3FAE] =	sst s1  }
0xa: {  	[smem:$0x3FAF] =	sst s2  }
0xb: {  	[smem:$0x3FB0] =	sst s3  }
0xc: {  	[smem:$0x3FB1] =	sst s4  }
0xd: {  	[smem:$0x3FB2] =	sst s5  }
0xe: {  	[smem:$0x3FB3] =	sst s6  }
0xf: {  	[smem:$0x3FB4] =	sst s7  }
0x10: {  	[smem:$0x3FB5] =	sst s8  }
0x11: {  	[smem:$0x3FB6] =	sst s9;
	s0 =	simm.s32 @!p0 $0x0  }
0x12: {  	s1 =	sld [smem:$0x3F9C];
	s0 =	simm.s32 @p0 $0x1  }
0x13: {  	[smem:$0x3FB7] =	sst s0;
	s0 =	simm.s32 @!p1 $0x0  }
0x14: {  	s2 =	sld [smem:$0x3F9B];
	s0 =	simm.s32 @p1 $0x1  }
0x15: {  	[smem:$0x3FB8] =	sst s0;
	s0 =	simm.s32 @!p2 $0x0  }
0x16: {  	s3 =	sld [smem:$0x3FDB];
	s0 =	simm.s32 @p2 $0x1  }
0x17: {  	s4 =	simm.s32 $0x1BF5;
	[smem:$0x3FBA] =	sst s0  }
0x18: {  	s0 =	sld [smem:$0x3F9D];
	_ =	swait.ge [sflag:s4], $0x0  }
0x19: {  	s7 =	sld [smem:$0x3F9E]  }
0x1a: {  	s8 =	sadd.s32 $0xFFFFE003, lr  }
0x1b: {  	s9 =	sadd.s32 $0xFFFFFEF7, lr;
	s5 =	simm.s32 $0xFFFFFFFF;
	p2 =	slt.u32 s8, $0xFFFFF086  }
0x1c: {  	p1 =	slt.u32 s9, $0xF7A;
	s5 =	simm.s32 @!p2 $0x0  }
0x1d: {  	s5 =	simm.s32 @p1 $0x1;
	p0 =	seq.s32 s7, s2  }
0x1e: {  	s7 =	smul.u32 @!p0 $0xF7A, s2;
	p2 =	seq.s32 @!p0 s5, $0x0  }
0x1f: {  	s9 =	smul.u32 $0xF7A, s1;
	s8 =	simm.s32 @!p0 $0x1BF5;
	p2 =	por !p2, p0  }
0x20: {  	[sflag:s8] =	ssyncset.s32 @!p0 $0xFFFFF086;
	s6 =	sadd.s32 @!p0 s3, s7;
	s7 =	simm.s32 @!p0 $0x108  }
0x21: {  	s3 =	sadd.s32 s3, s9;
	s6 =	sadd.s32 @!p0 $0x88, s6;
	s7 =	simm.s32 @p2 $0x1082  }
0x22: {  	[simem:s7], [sflag:s8] =	dma.local @!p0 [hbm:s6], $0xF7A  }
0x23: {  	s9 =	sor.u32 $0xD0000000, s2;
	s6 =	simm.s32 $0x108;
	_ =	swait.ge @!p0 [sflag:s8], $0x0  }
0x24: {  	s3 =	sadd.s32 $0x88, s3;
	s6 =	simm.s32 @!p1 $0x1082;
	[sflag:s4] =	ssyncset.s32 $0xFFFFF086  }
0x25: {  	[simem:s6], [sflag:s4] =	dma.local [hbm:s3], $0xF7A  }
0x26: {  	[smem:$0x3F9E] =	sst s1;
	(tag) =	ssettag s2;
	_ =	strace s9  }
0x27: {  	s1 =	sld [smem:$0x3FAE]  }
0x28: {  	s2 =	sld [smem:$0x3FAF]  }
0x29: {  	s4 =	sld [smem:$0x3FB1]  }
0x2a: {  	p0 =	seq.s32 s5, $0x0;
	s5 =	sld [smem:$0x3FB2]  }
0x2b: {  	s6 =	sld [smem:$0x3FB3]  }
0x2c: {  	s7 =	sld [smem:$0x3FB4]  }
0x2d: {  	s3 =	simm.s32 $0x108;
	s8 =	sld [smem:$0x3FB5]  }
0x2e: {  	s3 =	simm.s32 @!p0 $0x1082;
	s9 =	sld [smem:$0x3FB6]  }
0x2f: {  	lr =	sadd.s32 s0, s3;
	s0 =	sld [smem:$0x3FAD]  }
0x30: {  	s3 =	sld [smem:$0x3FB0]  }
0x31: {  	[smem:$0x3FB9] =	sst s10  }
0x32: {  	s10 =	sld [smem:$0x3FB7];
	_ =	sdelay $0x3  }
0x33: {  	p0 =	seq.s32 s10, $0x1;
	s10 =	sld [smem:$0x3FB9];
	_ =	sdelay $0x3  }
0x34: {  	[smem:$0x3FB9] =	sst s10  }
0x35: {  	s10 =	sld [smem:$0x3FB8];
	_ =	sdelay $0x3  }
0x36: {  	p1 =	seq.s32 s10, $0x1;
	s10 =	sld [smem:$0x3FB9];
	_ =	sdelay $0x3  }
0x37: {  	[smem:$0x3FB9] =	sst s10  }
0x38: {  	s10 =	sld [smem:$0x3FBA]  }
0x39: {  	_ = 	snop;
	(pc) =	sbr.ind lr, $3  }
0x3a: {  	_ = 	snop  }
0x3b: {  	_ = 	snop  }
0x3c: {  	p2 =	seq.s32 s10, $0x1;
	s10 =	sld [smem:$0x3FB9]  }
0x3d: {  	_ =	shalt  }
0x3e: {  	_ =	shalt  }
0x3f: {  	_ =	shalt  }
0x40: {  	_ =	shalt  }
0x41: {  	_ =	shalt  }
0x42: {  	_ =	shalt  }
0x43: {  	_ =	shalt  }
0x44: {  	_ =	shalt  }
0x45: {  	_ =	shalt  }
0x46: {  	_ =	shalt  }
0x47: {  	_ =	shalt  }
0x48: {  	_ =	shalt  }
0x49: {  	_ =	shalt  }
0x4a: {  	_ =	shalt  }
0x4b: {  	_ =	shalt  }
0x4c: {  	_ =	shalt  }
0x4d: {  	_ =	shalt  }
0x4e: {  	_ =	shalt  }
0x4f: {  	_ =	shalt  }
0x50: {  	_ =	shalt  }
0x51: {  	_ =	shalt  }
0x52: {  	_ =	shalt  }
0x53: {  	_ =	shalt  }
0x54: {  	_ =	shalt  }
0x55: {  	_ =	shalt  }
0x56: {  	_ =	shalt  }
0x57: {  	_ =	shalt  }
0x58: {  	_ =	shalt  }
0x59: {  	_ =	shalt  }
0x5a: {  	_ =	shalt  }
0x5b: {  	_ =	shalt  }
0x5c: {  	_ =	shalt  }
0x5d: {  	_ =	shalt  }
0x5e: {  	_ =	shalt  }
0x5f: {  	_ =	shalt  }
0x60: {  	_ =	shalt  }
0x61: {  	_ =	shalt  }
0x62: {  	_ =	shalt  }
0x63: {  	_ =	shalt  }
0x64: {  	_ =	shalt  }
0x65: {  	_ =	shalt  }
0x66: {  	_ =	shalt  }
0x67: {  	_ =	shalt  }
0x68: {  	_ =	shalt  }
0x69: {  	_ =	shalt  }
0x6a: {  	_ =	shalt  }
0x6b: {  	_ =	shalt  }
0x6c: {  	_ =	shalt  }
0x6d: {  	_ =	shalt  }
0x6e: {  	_ =	shalt  }
0x6f: {  	_ =	shalt  }
0x70: {  	_ =	shalt  }
0x71: {  	_ =	shalt  }
0x72: {  	_ =	shalt  }
0x73: {  	_ =	shalt  }
0x74: {  	_ =	shalt  }
0x75: {  	_ =	shalt  }
0x76: {  	_ =	shalt  }
0x77: {  	_ =	shalt  }
0x78: {  	_ =	shalt  }
0x79: {  	_ =	shalt  }
0x7a: {  	_ =	shalt  }
0x7b: {  	_ =	shalt  }
0x7c: {  	_ =	shalt  }
0x7d: {  	_ =	shalt  }
0x7e: {  	_ =	shalt  }
0x7f: {  	_ =	shalt  }
0x80: {  	_ =	shalt  }
0x81: {  	_ =	shalt  }
0x82: {  	_ =	shalt  }
0x83: {  	_ =	shalt  }
0x84: {  	_ =	shalt  }
0x85: {  	_ =	shalt  }
0x86: {  	_ =	shalt  }
0x87: {  	_ =	shalt  }
.Lfunc_end0:
.L_simem_size_0:
called_computation.1_lowered:
.L_overlay_start_0:
0x88: {  	s2 =	sld [smem:$0x3FD9]  }
0x89: {  	s3 =	sld [smem:$0x3FFE];
	_ =	sdelay $0x1  }
0x8a: {  	s1 =	srdreg.scid  }
0x8b: {  	s0 =	sand.u32 $0x1, s1  }
0x8c: {  	s17 =	sshll.u32 s0, $0xA;
	s2 =	sadd.s32 s3, s2  }
0x8d: {  	s2 =	sadd.s32 s2, s17  }
0x8e: {  	[smem:$0x3FC5] =	sst s2  }
0x8f: {  	_ = 	snop  }
0x90: {  	s2 =	sld [smem:$0x3FD0];
	(tm) =	ssettm $0x1  }
0x91: {  	s18 =	sld [smem:$0x3FFB];
	_ =	sdelay $0x3  }
0x92: {  	_ =	strace s18  }
0x93: {  	s3 =	sld [smem:$0x3FFC];
	_ =	sdelay $0x3  }
0x94: {  	_ =	strace s3  }
0x95: {  	s3 =	sld [smem:$0x3FFD];
	_ =	sdelay $0x3  }
0x96: {  	_ =	strace s3  }
0x97: {  	_ =	strace $0x8FFFFFFF  }
0x98: {  	s19 =	sld [smem:$0x3FDB];
	_ =	sdelay $0x1  }
0x99: {  	s4 =	simm.s32 $_scs_section_size  }
0x9a: {  	s5 =	simm.s32 $_size__tile_overlayer_lowered;
	s6 =	simm.s32 $_tile_overlayer_lowered  }
0x9b: {  	s22 =	simm.s32 $0x1BFF;
	s21 =	sshll.u32 s6, $0x1;
	s3 =	sadd.s32 s4, s19  }
0x9c: {  	s7 =	simm.s32 $0x0;
	s20 =	sshll.u32 s5, $0x1;
	s5 =	sadd.s32 s21, s3  }
0x9d: {  	[timem:s7], [sflag:s22] =	dma.local [hbm:s5], s20  }
0x9e: {  	_ =	swait.ge [sflag:s22], s20  }
0x9f: {  	s4 =	ssub.s32 $0x0, s20;
	[sflag:s22] =	ssyncset.done $0x0  }
0xa0: {  	[sflag:s22] =	ssyncadd.s32 s4;
	_ =	sdelay $0x1  }
0xa1: {  	s23 =	simm.s32 $0x1B8B  }
0xa2: {  	_ =	swait.ge [sflag:s23], $0x1  }
0xa3: {  	[sflag:s23] =	ssyncset.done $0x0  }
0xa4: {  	s25 =	simm.s32 $0x1B8E;
	s24 =	sld [smem:$0x3FFE];
	[sflag:s23] =	ssyncadd.s32 $0xFFFFFFFF  }
0xa5: {  	s26 =	simm.s32 $execute0_lowered;
	[smem:$0x3FD2] =	sst s25  }
0xa6: {  	s5 =	sshll.u32 s26, $0x1;
	_ =	strace $0x80000046;
	[dreg:$0x1] =	wrdreg $0xFFFFFFFF  }
0xa7: {  	s28 =	simm.s32 $_size_execute0_lowered;
	s3 =	sadd.s32 s3, s5;
	[dreg:$0x0] =	wrdreg $0x0  }
0xa8: {  	s5 =	sshll.u32 s28, $0x1;
	[dreg:$0x2] =	wrdreg s3  }
0xa9: {  	[dreg:$0x3] =	wrdreg s5  }
0xaa: {  	[dreg:$0x4] =	wrdreg $0xC0  }
0xab: {  	_ =	task [dreg:s7], $0x5FFFF  }
0xac: {  	[dreg:$0x1] =	wrdreg $0xFFFFFFFF  }
0xad: {  	[dreg:$0x0] =	wrdreg $0x60  }
0xae: {  	[dreg:$0x2] =	wrdreg s24  }
0xaf: {  	[dreg:$0x3] =	wrdreg s2  }
0xb0: {  	[dreg:$0x4] =	wrdreg $0x0  }
0xb1: {  	[dreg:$0x5] =	wrdreg $0x9  }
0xb2: {  	_ =	task.clear_ibuf [dreg:s7], $0x6FFFF;
	_ =	strace $0x90000046  }
0xb3: {  	s29 =	simm.s32 $0x9;
	_ =	strace $0x80000048  }
0xb4: {  	_ =	swait.ge [sflag:s29], $0x1  }
0xb5: {  	[sflag:s29] =	ssyncadd.s32 $0xFFFFFFFF  }
0xb6: {  	_ =	strace $0x90000048  }
0xb7: {  	_ =	sfence  }
0xb8: {  	s30 =	sld [smem:$0x0];
	_ =	sdelay $0x2  }
0xb9: {  	s31 =	sshll.u32 s1, $0xD;
	s1 =	sshrl.u32 s1, $0x2  }
0xba: {  	s3 =	sand.u32 $0x4000, s31;
	s1 =	sadd.s32 s1, s30  }
0xbb: {  	s0 =	sor.u32 s3, s0;
	s1 =	sshll.u32 s1, $0x11  }
0xbc: {  	s0 =	sor.u32 s1, s0  }
0xbd: {  	s0 =	sadd.s32 $0x8F2B, s0  }
0xbe: {  	[sflag:s0] =	ssyncadd.remote.s32 $0x1  }
0xbf: {  	_ =	sfence.sel $0xFFFF  }
0xc0: {  	[dreg:$0x0] =	wrdreg $0xFFFFFFFF;
	(pc) =	sbr.abs _section_cstart, $3  }
0xc1: {  	[dreg:$0x1] =	wrdreg $0xFFFFFFFF  }
0xc2: {  	_ =	task.clear_ibuf [dreg:s7], $0x2FFFF;
	_ =	strace $0x9FFFFFFF  }
0xc3: {  	(tm) =	ssettm $0x7FFFFFFF  }
tec
execute0_lowered:
.L_overlay_start_1:
0x0: {  	(tag) =	ssettag $0x1  }
0x1: {  	s0 =	rddreg [dreg:$0x0]  }
0x2: {  	s1 =	srdreg.scid;
	s4 =	stileid.u32  }
0x3: {  	s5 =	rddreg [dreg:$0x1];
	s20 =	simm.s32 $0x6A40;
	s18 =	simm.s32 $0x7  }
0x4: {  	s14 =	simm.s32 $0x6;
	s19 =	simm.s32 $0x9;
	s6 =	sand.u32 $0x1, s1  }
0x5: {  	s2 =	sshll.u32 s4, $0x1;
	s1 =	rddreg [dreg:$0x2];
	s23 =	smul.u32 $0xC800, s4  }
0x6: {  	s7 =	sor.u32 s6, s2;
	s9 =	ssub.s32 $0x2, s6;
	s6 =	smul.u32 $0x6400, s6  }
0x7: {  	p0 =	sne.s32 s4, $0x0;
	s2 =	simm.s32 $0x0;
	s3 =	smul.u32 $0xC80, s7  }
0x8: {  	s22 =	sadd.s32 $0x3200, s1;
	[smem:$0x7FF] =	sst s2;
	s10 =	smul.u32 $0x32000, s7  }
0x9: {  	s21 =	sshrl.u32 s9, $0x1;
	s7 =	smul.u32 $0x190000, s7;
	_ =	strace $0x80000047  }
0xa: {  	[dreg:$0x5] =	wrdreg s22;
	s6 =	sadd.s32 s6, s23;
	s22 =	simm.s32 $0x1  }
0xb: {  	s8 =	sadd.s32 s3, s0;
	s3 =	sadd.s32 $0xF43000, s0;
	s0 =	sadd.s32 $0x19C00, s0  }
0xc: {  	s23 =	simm.s32 $0x50;
	s10 =	sadd.s32 s5, s10;
	[dreg:$0x4] =	wrdreg s0  }
0xd: {  	s7 =	sshrl.u32 s7, $0x3;
	s8 =	sadd.s32 $0xC00, s8;
	[dreg:$0x6] =	wrdreg s10  }
0xe: {  	s6 =	sshll.u32 s6, $0x3;
	s24 =	sadd.s32 $0xC80, s10;
	[dreg:$0x7] =	wrdreg s8  }
0xf: {  	s7 =	sadd.s32 s5, s7;
	s25 =	sadd.s32 $0x1900, s10;
	[dreg:$0x8] =	wrdreg s24  }
0x10: {  	s0 =	ssub.s32 s9, s21;
	[dreg:$0x9] =	wrdreg s25;
	s26 =	sadd.s32 $0x2EE00, s7  }
0x11: {  	s30 =	sadd.s32 s5, s6;
	s28 =	sadd.s32 $0x2FA80, s7;
	[dreg:$0xa] =	wrdreg s26  }
0x12: {  	s21 =	simm.s32 $0xCE40;
	s29 =	sadd.s32 $0x30700, s7;
	[dreg:$0xb] =	wrdreg s28  }
0x13: {  	s9 =	simm.s32 $0x3;
	s7 =	sadd.s32 $0x31380, s7;
	[dreg:$0xc] =	wrdreg s29  }
0x14: {  	s6 =	simm.s32 $0x8;
	s0 =	smax.u32 s0, $0x1;
	[dreg:$0xd] =	wrdreg s7  }
0x15: {  	s5 =	sadd.s32 $0x2580, s30;
	s31 =	sadd.s32 $0x3E80, s30;
	[dreg:$0xe] =	wrdreg s0  }
0x16: {  	s24 =	simm.s32 $0x4;
	s8 =	simm.s32 $0x5;
	[dreg:$0xf] =	wrdreg s5  }
0x17: {  	[dreg:$0x10] =	wrdreg s31;
	s0 =	sadd.s32 $0x3200, s30;
	s26 =	simm.s32 $0x2  }
0x18: {  	s7 =	simm.s32 $0x13240;
	[dreg:$0x11] =	wrdreg s0;
	s0 =	simm.s32 $0x0  }
.LBB2_1:
0x19: {  	s15 =	simm.s32 @!p0 $0x0;
	s16 =	simm.s32 @!p0 $0x6A40;
	s17 =	rddreg [dreg:$0x4]  }
0x1a: {  	[tilespmem:s16], [sflag:$0xA] =	stream.linear.gather @!p0 [hbm4b:s17+s15], $0x3200, $0x38;
	[tilespmem:$0x19640] =	vst v63  }
0x1b: {  	[dreg:$0x12] =	wrdreg s0;
	s15 =	simm.s32 @!p0 $0xA  }
0x1c: {  	_ =	swait.ge @!p0 [sflag:s15], $0x3200  }
0x1d: {  	[sflag:s15] =	ssyncset.done @!p0 $0x0  }
0x1e: {  	[sflag:s15] =	ssyncadd.s32 @!p0 $0xFFFFCE00  }
0x1f: {  	[spmem:s1] =	stream.linear.scatter @!p0 [tilespmem:s16], [sflag:$0xA], $0x3200, $0x38;
	[tilespmem:$0x19640] =	vst v63  }
0x20: {  	_ =	swait.ge @!p0 [sflag:s15], $0x3200  }
0x21: {  	[sflag:s15] =	ssyncset.done @!p0 $0x0  }
0x22: {  	s17 =	rddreg [dreg:$0x5];
	[sflag:s15] =	ssyncadd.s32 @!p0 $0xFFFFCE00  }
0x23: {  	[spmem:s17] =	stream.linear.scatter @!p0 [tilespmem:s16], [sflag:$0xA], $0x3200, $0x38;
	[tilespmem:$0x19640] =	vst v63  }
0x24: {  	_ =	swait.ge @!p0 [sflag:s15], $0x3200  }
0x25: {  	[sflag:s15] =	ssyncset.done @!p0 $0x0  }
0x26: {  	[sflag:s15] =	ssyncadd.s32 @!p0 $0xFFFFCE00  }
0x27: {  	[bflag:$0x0] =	sbarrier.arrive $0xFFFF  }
0x28: {  	s10 =	simm.s32 $0x640;
	s11 =	simm.s32 $0xA;
	s5 =	rddreg [dreg:$0x7]  }
0x29: {  	[tilespmem:s10], [sflag:$0xA] =	stream.linear.gather [hbm4b:s5+s2], $0x6400, $0x38;
	[tilespmem:$0x19640] =	vst v63  }
0x2a: {  	_ =	swait.ge [sflag:s11], $0x6400  }
0x2b: {  	[sflag:s11] =	ssyncset.done $0x0  }
0x2c: {  	[sflag:s11] =	ssyncadd.s32 $0xFFFF9C00  }
0x2d: {  	[tilespmem:s20], [sflag:$0x1] =	stream.linear.gather [spmem:s1], $0x6400, $0x38;
	[tilespmem:$0x19640] =	vst v63  }
0x2e: {  	_ = 	snop  }
0x2f: {  	[tilespmem:s21], [sflag:$0x2] =	stream.linear.gather [spmem:s1], $0x6400, $0x38;
	[tilespmem:$0x19640] =	vst v63  }
0x30: {  	_ =	swait.ge [sflag:s22], $0x6400  }
0x31: {  	[sflag:s22] =	ssyncset.done $0x0  }
0x32: {  	[sflag:s22] =	ssyncadd.s32 $0xFFFF9C00  }
0x33: {  	[tilespmem:s20], [sflag:$0x4] =	stream.indirect.gather.add.f32 [hbm:s3], $0x40, s10, s23, $0xb8;
	[tilespmem:$0x19640] =	vst v63  }
0x34: {  	s12 =	simm.s32 $0x690;
	s13 =	simm.s32 $0x7E40  }
0x35: {  	[tilespmem:s13], [sflag:$0x4] =	stream.indirect.gather.add.f32 [hbm:s3], $0x40, s12, s23, $0xb8;
	[tilespmem:$0x19640] =	vst v63  }
0x36: {  	s4 =	simm.s32 $0x9240;
	s16 =	simm.s32 $0x6E0  }
0x37: {  	[tilespmem:s4], [sflag:$0x4] =	stream.indirect.gather.add.f32 [hbm:s3], $0x40, s16, s23, $0xb8;
	[tilespmem:$0x19640] =	vst v63  }
0x38: {  	s25 =	simm.s32 $0xA640;
	s17 =	simm.s32 $0x730  }
0x39: {  	[tilespmem:s25], [sflag:$0x4] =	stream.indirect.gather.add.f32 [hbm:s3], $0x40, s17, s23, $0xb8;
	[tilespmem:$0x19640] =	vst v63  }
0x3a: {  	s28 =	simm.s32 $0x780;
	s30 =	simm.s32 $0xBA40  }
0x3b: {  	[tilespmem:s30], [sflag:$0x4] =	stream.indirect.gather.add.f32 [hbm:s3], $0x40, s28, s23, $0xb8;
	[tilespmem:$0x19640] =	vst v63  }
0x3c: {  	_ =	swait.ge [sflag:s24], $0x6400  }
0x3d: {  	[sflag:s24] =	ssyncset.done $0x0  }
0x3e: {  	s4 =	rddreg [dreg:$0x6];
	[sflag:s24] =	ssyncadd.s32 $0xFFFF9C00  }
0x3f: {  	[hbm4b:s4+s2] =	stream.linear.scatter [tilespmem:s20], [sflag:$0x7], $0x6400, $0x38;
	[tilespmem:$0x19640] =	vst v63  }
0x40: {  	_ =	swait.ge [sflag:s26], $0x6400  }
0x41: {  	[sflag:s26] =	ssyncset.done $0x0  }
0x42: {  	s10 =	simm.s32 $0x7D0;
	[sflag:s26] =	ssyncadd.s32 $0xFFFF9C00  }
0x43: {  	[tilespmem:s21], [sflag:$0x5] =	stream.indirect.gather.add.f32 [hbm:s3], $0x40, s10, s23, $0xb8;
	[tilespmem:$0x19640] =	vst v63  }
0x44: {  	s15 =	simm.s32 $0x820;
	s4 =	simm.s32 $0xE240  }
0x45: {  	[tilespmem:s4], [sflag:$0x5] =	stream.indirect.gather.add.f32 [hbm:s3], $0x40, s15, s23, $0xb8;
	[tilespmem:$0x19640] =	vst v63  }
0x46: {  	s16 =	simm.s32 $0x870;
	s17 =	simm.s32 $0xF640  }
0x47: {  	[tilespmem:s17], [sflag:$0x5] =	stream.indirect.gather.add.f32 [hbm:s3], $0x40, s16, s23, $0xb8;
	[tilespmem:$0x19640] =	vst v63  }
0x48: {  	s25 =	simm.s32 $0x8C0;
	s28 =	simm.s32 $0x10A40  }
0x49: {  	[tilespmem:s28], [sflag:$0x5] =	stream.indirect.gather.add.f32 [hbm:s3], $0x40, s25, s23, $0xb8;
	[tilespmem:$0x19640] =	vst v63  }
0x4a: {  	s29 =	simm.s32 $0x11E40;
	s30 =	simm.s32 $0x910  }
0x4b: {  	[tilespmem:s29], [sflag:$0x5] =	stream.indirect.gather.add.f32 [hbm:s3], $0x40, s30, s23, $0xb8;
	[tilespmem:$0x19640] =	vst v63  }
0x4c: {  	_ = 	snop  }
0x4d: {  	[tilespmem:s7], [sflag:$0x3] =	stream.linear.gather [spmem:s1], $0x6400, $0x38;
	[tilespmem:$0x19640] =	vst v63  }
0x4e: {  	_ =	swait.ge [sflag:s8], $0x6400  }
0x4f: {  	[sflag:s8] =	ssyncset.done $0x0  }
0x50: {  	s10 =	rddreg [dreg:$0x8];
	[sflag:s8] =	ssyncadd.s32 $0xFFFF9C00  }
0x51: {  	[hbm4b:s10+s2] =	stream.linear.scatter [tilespmem:s21], [sflag:$0x8], $0x6400, $0x38;
	[tilespmem:$0x19640] =	vst v63  }
0x52: {  	_ =	swait.ge [sflag:s9], $0x6400  }
0x53: {  	[sflag:s9] =	ssyncset.done $0x0  }
0x54: {  	s16 =	simm.s32 $0x960;
	[sflag:s9] =	ssyncadd.s32 $0xFFFF9C00  }
0x55: {  	[tilespmem:s7], [sflag:$0x6] =	stream.indirect.gather.add.f32 [hbm:s3], $0x40, s16, s23, $0xb8;
	[tilespmem:$0x19640] =	vst v63  }
0x56: {  	s31 =	simm.s32 $0x14640;
	s25 =	simm.s32 $0x9B0  }
0x57: {  	[tilespmem:s31], [sflag:$0x6] =	stream.indirect.gather.add.f32 [hbm:s3], $0x40, s25, s23, $0xb8;
	[tilespmem:$0x19640] =	vst v63  }
0x58: {  	s30 =	simm.s32 $0xA00;
	s10 =	simm.s32 $0x15A40  }
0x59: {  	[tilespmem:s10], [sflag:$0x6] =	stream.indirect.gather.add.f32 [hbm:s3], $0x40, s30, s23, $0xb8;
	[tilespmem:$0x19640] =	vst v63  }
0x5a: {  	s15 =	simm.s32 $0xA50;
	s16 =	simm.s32 $0x16E40  }
0x5b: {  	[tilespmem:s16], [sflag:$0x6] =	stream.indirect.gather.add.f32 [hbm:s3], $0x40, s15, s23, $0xb8;
	[tilespmem:$0x19640] =	vst v63  }
0x5c: {  	s25 =	simm.s32 $0xAA0;
	s30 =	simm.s32 $0x18240  }
0x5d: {  	[tilespmem:s30], [sflag:$0x6] =	stream.indirect.gather.add.f32 [hbm:s3], $0x40, s25, s23, $0xb8;
	[tilespmem:$0x19640] =	vst v63  }
0x5e: {  	_ =	swait.ge [sflag:s18], $0x6400  }
0x5f: {  	[sflag:s18] =	ssyncset.done $0x0  }
0x60: {  	[sflag:s18] =	ssyncadd.s32 $0xFFFF9C00  }
0x61: {  	[tilespmem:s20], [sflag:$0x1] =	stream.linear.gather [spmem:s1], $0x6400, $0x38;
	[tilespmem:$0x19640] =	vst v63  }
0x62: {  	_ =	swait.ge [sflag:s14], $0x6400  }
0x63: {  	[sflag:s14] =	ssyncset.done $0x0  }
0x64: {  	s0 =	rddreg [dreg:$0x9];
	[sflag:s14] =	ssyncadd.s32 $0xFFFF9C00  }
0x65: {  	[hbm4b:s0+s2] =	stream.linear.scatter [tilespmem:s7], [sflag:$0x9], $0x6400, $0x38;
	[tilespmem:$0x19640] =	vst v63  }
0x66: {  	_ =	swait.ge [sflag:s22], $0x6400  }
0x67: {  	[sflag:s22] =	ssyncset.done $0x0  }
0x68: {  	s15 =	simm.s32 $0xAF0;
	[sflag:s22] =	ssyncadd.s32 $0xFFFF9C00  }
0x69: {  	[tilespmem:s20], [sflag:$0x4] =	stream.indirect.gather.add.f32 [hbm:s3], $0x40, s15, s23, $0xb8;
	[tilespmem:$0x19640] =	vst v63  }
0x6a: {  	s13 =	simm.s32 $0x7E40;
	s25 =	simm.s32 $0xB40  }
0x6b: {  	[tilespmem:s13], [sflag:$0x4] =	stream.indirect.gather.add.f32 [hbm:s3], $0x40, s25, s23, $0xb8;
	[tilespmem:$0x19640] =	vst v63  }
0x6c: {  	s12 =	simm.s32 $0x9240;
	s13 =	simm.s32 $0xB90  }
0x6d: {  	[tilespmem:s12], [sflag:$0x4] =	stream.indirect.gather.add.f32 [hbm:s3], $0x40, s13, s23, $0xb8;
	[tilespmem:$0x19640] =	vst v63  }
0x6e: {  	s11 =	simm.s32 $0xA640;
	s15 =	simm.s32 $0xBE0  }
0x6f: {  	[tilespmem:s11], [sflag:$0x4] =	stream.indirect.gather.add.f32 [hbm:s3], $0x40, s15, s23, $0xb8;
	[tilespmem:$0x19640] =	vst v63  }
0x70: {  	s5 =	simm.s32 $0xBA40;
	s25 =	simm.s32 $0xC30  }
0x71: {  	[tilespmem:s5], [sflag:$0x4] =	stream.indirect.gather.add.f32 [hbm:s3], $0x40, s25, s23, $0xb8;
	[tilespmem:$0x19640] =	vst v63  }
0x72: {  	_ =	swait.ge [sflag:s6], $0x6400  }
0x73: {  	[sflag:s6] =	ssyncset.done $0x0  }
0x74: {  	[sflag:s6] =	ssyncadd.s32 $0xFFFF9C00  }
0x75: {  	[tilespmem:s21], [sflag:$0x2] =	stream.linear.gather [spmem:s1], $0x6400, $0x38;
	[tilespmem:$0x19640] =	vst v63  }
0x76: {  	_ =	swait.ge [sflag:s24], $0x6400  }
0x77: {  	[sflag:s24] =	ssyncset.done $0x0  }
0x78: {  	s25 =	rddreg [dreg:$0xf];
	[sflag:s24] =	ssyncadd.s32 $0xFFFF9C00  }
0x79: {  	[hbm4b:s25+s2] =	stream.linear.scatter [tilespmem:s20], [sflag:$0x7], $0x6400, $0x38;
	[tilespmem:$0x19640] =	vst v63  }
0x7a: {  	_ =	swait.ge [sflag:s26], $0x6400  }
0x7b: {  	[sflag:s26] =	ssyncset.done $0x0  }
0x7c: {  	s11 =	simm.s32 $0xC80;
	[sflag:s26] =	ssyncadd.s32 $0xFFFF9C00  }
0x7d: {  	[tilespmem:s21], [sflag:$0x5] =	stream.indirect.gather.add.f32 [hbm:s3], $0x40, s11, s23, $0xb8;
	[tilespmem:$0x19640] =	vst v63  }
0x7e: {  	s12 =	simm.s32 $0xCD0  }
0x7f: {  	[tilespmem:s4], [sflag:$0x5] =	stream.indirect.gather.add.f32 [hbm:s3], $0x40, s12, s23, $0xb8;
	[tilespmem:$0x19640] =	vst v63  }
0x80: {  	s13 =	simm.s32 $0xD20  }
0x81: {  	[tilespmem:s17], [sflag:$0x5] =	stream.indirect.gather.add.f32 [hbm:s3], $0x40, s13, s23, $0xb8;
	[tilespmem:$0x19640] =	vst v63  }
0x82: {  	s17 =	simm.s32 $0xD70  }
0x83: {  	[tilespmem:s28], [sflag:$0x5] =	stream.indirect.gather.add.f32 [hbm:s3], $0x40, s17, s23, $0xb8;
	[tilespmem:$0x19640] =	vst v63  }
0x84: {  	s0 =	simm.s32 $0xDC0  }
0x85: {  	[tilespmem:s29], [sflag:$0x5] =	stream.indirect.gather.add.f32 [hbm:s3], $0x40, s0, s23, $0xb8;
	[tilespmem:$0x19640] =	vst v63  }
0x86: {  	_ =	swait.ge [sflag:s19], $0x6400  }
0x87: {  	[sflag:s19] =	ssyncset.done $0x0  }
0x88: {  	[sflag:s19] =	ssyncadd.s32 $0xFFFF9C00  }
0x89: {  	[tilespmem:s7], [sflag:$0x3] =	stream.linear.gather [spmem:s1], $0x6400, $0x38;
	[tilespmem:$0x19640] =	vst v63  }
0x8a: {  	_ =	swait.ge [sflag:s8], $0x6400  }
0x8b: {  	[sflag:s8] =	ssyncset.done $0x0  }
0x8c: {  	s17 =	rddreg [dreg:$0x11];
	[sflag:s8] =	ssyncadd.s32 $0xFFFF9C00  }
0x8d: {  	[hbm4b:s17+s2] =	stream.linear.scatter [tilespmem:s21], [sflag:$0x8], $0x6400, $0x38;
	[tilespmem:$0x19640] =	vst v63  }
0x8e: {  	_ =	swait.ge [sflag:s9], $0x6400  }
0x8f: {  	[sflag:s9] =	ssyncset.done $0x0  }
0x90: {  	s4 =	simm.s32 $0xE10;
	[sflag:s9] =	ssyncadd.s32 $0xFFFF9C00  }
0x91: {  	[tilespmem:s7], [sflag:$0x6] =	stream.indirect.gather.add.f32 [hbm:s3], $0x40, s4, s23, $0xb8;
	[tilespmem:$0x19640] =	vst v63  }
0x92: {  	s5 =	simm.s32 $0xE60  }
0x93: {  	[tilespmem:s31], [sflag:$0x6] =	stream.indirect.gather.add.f32 [hbm:s3], $0x40, s5, s23, $0xb8;
	[tilespmem:$0x19640] =	vst v63  }
0x94: {  	s11 =	simm.s32 $0xEB0  }
0x95: {  	[tilespmem:s10], [sflag:$0x6] =	stream.indirect.gather.add.f32 [hbm:s3], $0x40, s11, s23, $0xb8;
	[tilespmem:$0x19640] =	vst v63  }
0x96: {  	s12 =	simm.s32 $0xF00  }
0x97: {  	[tilespmem:s16], [sflag:$0x6] =	stream.indirect.gather.add.f32 [hbm:s3], $0x40, s12, s23, $0xb8;
	[tilespmem:$0x19640] =	vst v63  }
0x98: {  	s28 =	simm.s32 $0xF50  }
0x99: {  	[tilespmem:s30], [sflag:$0x6] =	stream.indirect.gather.add.f32 [hbm:s3], $0x40, s28, s23, $0xb8;
	[tilespmem:$0x19640] =	vst v63  }
0x9a: {  	_ =	swait.ge [sflag:s18], $0x6400  }
0x9b: {  	[sflag:s18] =	ssyncset.done $0x0  }
0x9c: {  	[sflag:s18] =	ssyncadd.s32 $0xFFFF9C00  }
0x9d: {  	[tilespmem:s20], [sflag:$0x1] =	stream.linear.gather [spmem:s1], $0x6400, $0x38;
	[tilespmem:$0x19640] =	vst v63  }
0x9e: {  	_ =	swait.ge [sflag:s14], $0x6400  }
0x9f: {  	[sflag:s14] =	ssyncset.done $0x0  }
0xa0: {  	s28 =	rddreg [dreg:$0x10];
	[sflag:s14] =	ssyncadd.s32 $0xFFFF9C00  }
0xa1: {  	[hbm4b:s28+s2] =	stream.linear.scatter [tilespmem:s7], [sflag:$0x9], $0x6400, $0x38;
	[tilespmem:$0x19640] =	vst v63  }
0xa2: {  	_ =	swait.ge [sflag:s22], $0x6400  }
0xa3: {  	s15 =	sadd.s32 $0x2580, s25;
	[sflag:s22] =	ssyncset.done $0x0  }
0xa4: {  	s13 =	simm.s32 $0x14640;
	s0 =	simm.s32 $0xFA0;
	[sflag:s22] =	ssyncadd.s32 $0xFFFF9C00  }
0xa5: {  	[tilespmem:s20], [sflag:$0x4] =	stream.indirect.gather.add.f32 [hbm:s3], $0x40, s0, s23, $0xb8;
	[tilespmem:$0x19640] =	vst v63  }
0xa6: {  	s29 =	simm.s32 $0x9240;
	s4 =	simm.s32 $0xFF0;
	s10 =	simm.s32 $0x7E40  }
0xa7: {  	[tilespmem:s10], [sflag:$0x4] =	stream.indirect.gather.add.f32 [hbm:s3], $0x40, s4, s23, $0xb8;
	[tilespmem:$0x19640] =	vst v63  }
0xa8: {  	s17 =	sadd.s32 $0x2580, s17;
	s16 =	simm.s32 $0x1040;
	s30 =	simm.s32 $0x9240  }
0xa9: {  	[tilespmem:s30], [sflag:$0x4] =	stream.indirect.gather.add.f32 [hbm:s3], $0x40, s16, s23, $0xb8;
	[tilespmem:$0x19640] =	vst v63  }
0xaa: {  	s5 =	simm.s32 $0x15A40;
	s4 =	simm.s32 $0x1090;
	s10 =	simm.s32 $0xA640  }
0xab: {  	[tilespmem:s10], [sflag:$0x4] =	stream.indirect.gather.add.f32 [hbm:s3], $0x40, s4, s23, $0xb8;
	[tilespmem:$0x19640] =	vst v63  }
0xac: {  	s31 =	simm.s32 $0xA640;
	s16 =	simm.s32 $0x10E0;
	s30 =	simm.s32 $0xBA40  }
0xad: {  	[tilespmem:s30], [sflag:$0x4] =	stream.indirect.gather.add.f32 [hbm:s3], $0x40, s16, s23, $0xb8;
	[tilespmem:$0x19640] =	vst v63  }
0xae: {  	s11 =	simm.s32 $0x16E40;
	s12 =	simm.s32 $0x18240;
	_ =	swait.ge [sflag:s6], $0x6400  }
0xaf: {  	s25 =	sadd.s32 $0x2580, s28;
	s0 =	simm.s32 $0x7E40;
	[sflag:s6] =	ssyncset.done $0x0  }
0xb0: {  	s4 =	simm.s32 $0xBA40;
	s16 =	simm.s32 $0x12C0;
	[sflag:s6] =	ssyncadd.s32 $0xFFFF9C00  }
.LBB2_2:
0xb1: {  	[tilespmem:s21], [sflag:$0x2] =	stream.linear.gather [spmem:s1], $0x6400, $0x38;
	[tilespmem:$0x19640] =	vst v63  }
0xb2: {  	s28 =	smov.u32 s16  }
0xb3: {  	p1 =	sne.s32 s16, $0x15180;
	s16 =	sadd.s32 $0x12C0, s16;
	_ =	swait.ge [sflag:s24], $0x6400  }
0xb4: {  	[sflag:s24] =	ssyncset.done $0x0  }
0xb5: {  	[sflag:s24] =	ssyncadd.s32 $0xFFFF9C00  }
0xb6: {  	[hbm4b:s15+s2] =	stream.linear.scatter [tilespmem:s20], [sflag:$0x7], $0x6400, $0x38;
	[tilespmem:$0x19640] =	vst v63  }
0xb7: {  	_ =	swait.ge [sflag:s26], $0x6400  }
0xb8: {  	s28 =	sshra.s32 s28, $0x2;
	[sflag:s26] =	ssyncset.done $0x0  }
0xb9: {  	s30 =	sadd.s32 $0xC80, s28;
	[sflag:s26] =	ssyncadd.s32 $0xFFFF9C00  }
0xba: {  	[tilespmem:s21], [sflag:$0x5] =	stream.indirect.gather.add.f32 [hbm:s3], $0x40, s30, s23, $0xb8;
	[tilespmem:$0x19640] =	vst v63  }
0xbb: {  	s10 =	simm.s32 $0xE240;
	s30 =	sadd.s32 $0xCD0, s28  }
0xbc: {  	[tilespmem:s10], [sflag:$0x5] =	stream.indirect.gather.add.f32 [hbm:s3], $0x40, s30, s23, $0xb8;
	[tilespmem:$0x19640] =	vst v63  }
0xbd: {  	s30 =	sadd.s32 $0xD20, s28;
	s10 =	simm.s32 $0xF640  }
0xbe: {  	[tilespmem:s10], [sflag:$0x5] =	stream.indirect.gather.add.f32 [hbm:s3], $0x40, s30, s23, $0xb8;
	[tilespmem:$0x19640] =	vst v63  }
0xbf: {  	s30 =	sadd.s32 $0xD70, s28;
	s10 =	simm.s32 $0x10A40  }
0xc0: {  	[tilespmem:s10], [sflag:$0x5] =	stream.indirect.gather.add.f32 [hbm:s3], $0x40, s30, s23, $0xb8;
	[tilespmem:$0x19640] =	vst v63  }
0xc1: {  	s30 =	sadd.s32 $0xDC0, s28;
	s10 =	simm.s32 $0x11E40  }
0xc2: {  	[tilespmem:s10], [sflag:$0x5] =	stream.indirect.gather.add.f32 [hbm:s3], $0x40, s30, s23, $0xb8;
	[tilespmem:$0x19640] =	vst v63  }
0xc3: {  	_ =	swait.ge [sflag:s19], $0x6400  }
0xc4: {  	[sflag:s19] =	ssyncset.done $0x0  }
0xc5: {  	[sflag:s19] =	ssyncadd.s32 $0xFFFF9C00  }
0xc6: {  	[tilespmem:s7], [sflag:$0x3] =	stream.linear.gather [spmem:s1], $0x6400, $0x38;
	[tilespmem:$0x19640] =	vst v63  }
0xc7: {  	_ =	swait.ge [sflag:s8], $0x6400  }
0xc8: {  	[sflag:s8] =	ssyncset.done $0x0  }
0xc9: {  	[sflag:s8] =	ssyncadd.s32 $0xFFFF9C00  }
0xca: {  	[hbm4b:s17+s2] =	stream.linear.scatter [tilespmem:s21], [sflag:$0x8], $0x6400, $0x38;
	[tilespmem:$0x19640] =	vst v63  }
0xcb: {  	_ =	swait.ge [sflag:s9], $0x6400  }
0xcc: {  	[sflag:s9] =	ssyncset.done $0x0  }
0xcd: {  	s30 =	sadd.s32 $0xE10, s28;
	[sflag:s9] =	ssyncadd.s32 $0xFFFF9C00  }
0xce: {  	[tilespmem:s7], [sflag:$0x6] =	stream.indirect.gather.add.f32 [hbm:s3], $0x40, s30, s23, $0xb8;
	[tilespmem:$0x19640] =	vst v63  }
0xcf: {  	s30 =	sadd.s32 $0xE60, s28  }
0xd0: {  	[tilespmem:s13], [sflag:$0x6] =	stream.indirect.gather.add.f32 [hbm:s3], $0x40, s30, s23, $0xb8;
	[tilespmem:$0x19640] =	vst v63  }
0xd1: {  	s30 =	sadd.s32 $0xEB0, s28  }
0xd2: {  	[tilespmem:s5], [sflag:$0x6] =	stream.indirect.gather.add.f32 [hbm:s3], $0x40, s30, s23, $0xb8;
	[tilespmem:$0x19640] =	vst v63  }
0xd3: {  	s30 =	sadd.s32 $0xF00, s28  }
0xd4: {  	[tilespmem:s11], [sflag:$0x6] =	stream.indirect.gather.add.f32 [hbm:s3], $0x40, s30, s23, $0xb8;
	[tilespmem:$0x19640] =	vst v63  }
0xd5: {  	s30 =	sadd.s32 $0xF50, s28  }
0xd6: {  	[tilespmem:s12], [sflag:$0x6] =	stream.indirect.gather.add.f32 [hbm:s3], $0x40, s30, s23, $0xb8;
	[tilespmem:$0x19640] =	vst v63  }
0xd7: {  	_ =	swait.ge [sflag:s18], $0x6400  }
0xd8: {  	[sflag:s18] =	ssyncset.done $0x0  }
0xd9: {  	[sflag:s18] =	ssyncadd.s32 $0xFFFF9C00  }
0xda: {  	[tilespmem:s20], [sflag:$0x1] =	stream.linear.gather [spmem:s1], $0x6400, $0x38;
	[tilespmem:$0x19640] =	vst v63  }
0xdb: {  	_ =	swait.ge [sflag:s14], $0x6400  }
0xdc: {  	[sflag:s14] =	ssyncset.done $0x0  }
0xdd: {  	[sflag:s14] =	ssyncadd.s32 $0xFFFF9C00  }
0xde: {  	[hbm4b:s25+s2] =	stream.linear.scatter [tilespmem:s7], [sflag:$0x9], $0x6400, $0x38;
	[tilespmem:$0x19640] =	vst v63  }
0xdf: {  	_ =	swait.ge [sflag:s22], $0x6400  }
0xe0: {  	[sflag:s22] =	ssyncset.done $0x0  }
0xe1: {  	s30 =	sadd.s32 $0xFA0, s28;
	[sflag:s22] =	ssyncadd.s32 $0xFFFF9C00  }
0xe2: {  	[tilespmem:s20], [sflag:$0x4] =	stream.indirect.gather.add.f32 [hbm:s3], $0x40, s30, s23, $0xb8;
	[tilespmem:$0x19640] =	vst v63  }
0xe3: {  	s30 =	sadd.s32 $0xFF0, s28  }
0xe4: {  	[tilespmem:s0], [sflag:$0x4] =	stream.indirect.gather.add.f32 [hbm:s3], $0x40, s30, s23, $0xb8;
	[tilespmem:$0x19640] =	vst v63  }
0xe5: {  	s30 =	sadd.s32 $0x1040, s28  }
0xe6: {  	[tilespmem:s29], [sflag:$0x4] =	stream.indirect.gather.add.f32 [hbm:s3], $0x40, s30, s23, $0xb8;
	[tilespmem:$0x19640] =	vst v63  }
0xe7: {  	s30 =	sadd.s32 $0x1090, s28  }
0xe8: {  	[tilespmem:s31], [sflag:$0x4] =	stream.indirect.gather.add.f32 [hbm:s3], $0x40, s30, s23, $0xb8;
	[tilespmem:$0x19640] =	vst v63  }
.Ltmp0:
0xe9: {  	s28 =	sadd.s32 $0x10E0, s28;
	(pc) =	sbr.rel @p1 .LBB2_2-.Ltmp0, $4  }
0xea: {  	[tilespmem:s4], [sflag:$0x4] =	stream.indirect.gather.add.f32 [hbm:s3], $0x40, s28, s23, $0xb8;
	[tilespmem:$0x19640] =	vst v63  }
0xeb: {  	_ =	swait.ge [sflag:s6], $0x6400  }
0xec: {  	s17 =	sadd.s32 $0x2580, s17;
	[sflag:s6] =	ssyncset.done $0x0  }
0xed: {  	s15 =	sadd.s32 $0x2580, s15;
	s25 =	sadd.s32 $0x2580, s25;
	[sflag:s6] =	ssyncadd.s32 $0xFFFF9C00  }
0xee: {  	[tilespmem:s21], [sflag:$0x2] =	stream.linear.gather [spmem:s1], $0x6400, $0x38;
	[tilespmem:$0x19640] =	vst v63  }
0xef: {  	_ =	swait.ge [sflag:s24], $0x6400  }
0xf0: {  	[sflag:s24] =	ssyncset.done $0x0  }
0xf1: {  	s15 =	rddreg [dreg:$0xa];
	[sflag:s24] =	ssyncadd.s32 $0xFFFF9C00  }
0xf2: {  	[hbm4b:s15+s2] =	stream.linear.scatter [tilespmem:s20], [sflag:$0x7], $0x6400, $0x38;
	[tilespmem:$0x19640] =	vst v63  }
0xf3: {  	_ =	swait.ge [sflag:s26], $0x6400  }
0xf4: {  	[sflag:s26] =	ssyncset.done $0x0  }
0xf5: {  	s10 =	simm.s32 $0x6590;
	[sflag:s26] =	ssyncadd.s32 $0xFFFF9C00  }
0xf6: {  	[tilespmem:s21], [sflag:$0x5] =	stream.indirect.gather.add.f32 [hbm:s3], $0x40, s10, s23, $0xb8;
	[tilespmem:$0x19640] =	vst v63  }
0xf7: {  	s16 =	simm.s32 $0x65E0;
	s10 =	simm.s32 $0xE240  }
0xf8: {  	[tilespmem:s10], [sflag:$0x5] =	stream.indirect.gather.add.f32 [hbm:s3], $0x40, s16, s23, $0xb8;
	[tilespmem:$0x19640] =	vst v63  }
0xf9: {  	s17 =	simm.s32 $0xF640;
	s25 =	simm.s32 $0x6630  }
0xfa: {  	[tilespmem:s17], [sflag:$0x5] =	stream.indirect.gather.add.f32 [hbm:s3], $0x40, s25, s23, $0xb8;
	[tilespmem:$0x19640] =	vst v63  }
0xfb: {  	s28 =	simm.s32 $0x10A40;
	s30 =	simm.s32 $0x6680  }
0xfc: {  	[tilespmem:s28], [sflag:$0x5] =	stream.indirect.gather.add.f32 [hbm:s3], $0x40, s30, s23, $0xb8;
	[tilespmem:$0x19640] =	vst v63  }
0xfd: {  	s15 =	simm.s32 $0x11E40;
	s16 =	simm.s32 $0x66D0  }
0xfe: {  	[tilespmem:s15], [sflag:$0x5] =	stream.indirect.gather.add.f32 [hbm:s3], $0x40, s16, s23, $0xb8;
	[tilespmem:$0x19640] =	vst v63  }
0xff: {  	_ =	swait.ge [sflag:s19], $0x6400  }
0x100: {  	[sflag:s19] =	ssyncset.done $0x0  }
0x101: {  	[sflag:s19] =	ssyncadd.s32 $0xFFFF9C00  }
0x102: {  	[tilespmem:s7], [sflag:$0x3] =	stream.linear.gather [spmem:s1], $0x6400, $0x38;
	[tilespmem:$0x19640] =	vst v63  }
0x103: {  	_ =	swait.ge [sflag:s8], $0x6400  }
0x104: {  	[sflag:s8] =	ssyncset.done $0x0  }
0x105: {  	s17 =	rddreg [dreg:$0xb];
	[sflag:s8] =	ssyncadd.s32 $0xFFFF9C00  }
0x106: {  	[hbm4b:s17+s2] =	stream.linear.scatter [tilespmem:s21], [sflag:$0x8], $0x6400, $0x38;
	[tilespmem:$0x19640] =	vst v63  }
0x107: {  	_ =	swait.ge [sflag:s9], $0x6400  }
0x108: {  	[sflag:s9] =	ssyncset.done $0x0  }
0x109: {  	s25 =	simm.s32 $0x6720;
	[sflag:s9] =	ssyncadd.s32 $0xFFFF9C00  }
0x10a: {  	[tilespmem:s7], [sflag:$0x6] =	stream.indirect.gather.add.f32 [hbm:s3], $0x40, s25, s23, $0xb8;
	[tilespmem:$0x19640] =	vst v63  }
0x10b: {  	s28 =	simm.s32 $0x6770  }
0x10c: {  	[tilespmem:s13], [sflag:$0x6] =	stream.indirect.gather.add.f32 [hbm:s3], $0x40, s28, s23, $0xb8;
	[tilespmem:$0x19640] =	vst v63  }
0x10d: {  	s30 =	simm.s32 $0x67C0  }
0x10e: {  	[tilespmem:s5], [sflag:$0x6] =	stream.indirect.gather.add.f32 [hbm:s3], $0x40, s30, s23, $0xb8;
	[tilespmem:$0x19640] =	vst v63  }
0x10f: {  	s10 =	simm.s32 $0x6810  }
0x110: {  	[tilespmem:s11], [sflag:$0x6] =	stream.indirect.gather.add.f32 [hbm:s3], $0x40, s10, s23, $0xb8;
	[tilespmem:$0x19640] =	vst v63  }
0x111: {  	s11 =	simm.s32 $0x6860  }
0x112: {  	[tilespmem:s12], [sflag:$0x6] =	stream.indirect.gather.add.f32 [hbm:s3], $0x40, s11, s23, $0xb8;
	[tilespmem:$0x19640] =	vst v63  }
0x113: {  	_ =	swait.ge [sflag:s18], $0x6400  }
0x114: {  	[sflag:s18] =	ssyncset.done $0x0  }
0x115: {  	[sflag:s18] =	ssyncadd.s32 $0xFFFF9C00  }
0x116: {  	[tilespmem:s20], [sflag:$0x1] =	stream.linear.gather [spmem:s1], $0x6400, $0x38;
	[tilespmem:$0x19640] =	vst v63  }
0x117: {  	_ =	swait.ge [sflag:s14], $0x6400  }
0x118: {  	[sflag:s14] =	ssyncset.done $0x0  }
0x119: {  	s13 =	rddreg [dreg:$0xc];
	[sflag:s14] =	ssyncadd.s32 $0xFFFF9C00  }
0x11a: {  	[hbm4b:s13+s2] =	stream.linear.scatter [tilespmem:s7], [sflag:$0x9], $0x6400, $0x38;
	[tilespmem:$0x19640] =	vst v63  }
0x11b: {  	_ =	swait.ge [sflag:s22], $0x6400  }
0x11c: {  	[sflag:s22] =	ssyncset.done $0x0  }
0x11d: {  	s15 =	simm.s32 $0x68B0;
	[sflag:s22] =	ssyncadd.s32 $0xFFFF9C00  }
0x11e: {  	[tilespmem:s20], [sflag:$0x4] =	stream.indirect.gather.add.f32 [hbm:s3], $0x40, s15, s23, $0xb8;
	[tilespmem:$0x19640] =	vst v63  }
0x11f: {  	s16 =	simm.s32 $0x6900  }
0x120: {  	[tilespmem:s0], [sflag:$0x4] =	stream.indirect.gather.add.f32 [hbm:s3], $0x40, s16, s23, $0xb8;
	[tilespmem:$0x19640] =	vst v63  }
0x121: {  	s17 =	simm.s32 $0x6950  }
0x122: {  	[tilespmem:s29], [sflag:$0x4] =	stream.indirect.gather.add.f32 [hbm:s3], $0x40, s17, s23, $0xb8;
	[tilespmem:$0x19640] =	vst v63  }
0x123: {  	s25 =	simm.s32 $0x69A0  }
0x124: {  	[tilespmem:s31], [sflag:$0x4] =	stream.indirect.gather.add.f32 [hbm:s3], $0x40, s25, s23, $0xb8;
	[tilespmem:$0x19640] =	vst v63  }
0x125: {  	s28 =	simm.s32 $0x69F0  }
0x126: {  	[tilespmem:s4], [sflag:$0x4] =	stream.indirect.gather.add.f32 [hbm:s3], $0x40, s28, s23, $0xb8;
	[tilespmem:$0x19640] =	vst v63  }
0x127: {  	_ =	swait.ge [sflag:s6], $0x6400  }
0x128: {  	[sflag:s6] =	ssyncset.done $0x0  }
0x129: {  	[sflag:s6] =	ssyncadd.s32 $0xFFFF9C00  }
0x12a: {  	_ =	swait.ge [sflag:s24], $0x6400  }
0x12b: {  	[sflag:s24] =	ssyncset.done $0x0  }
0x12c: {  	s29 =	rddreg [dreg:$0xd];
	[sflag:s24] =	ssyncadd.s32 $0xFFFF9C00  }
0x12d: {  	[hbm4b:s29+s2] =	stream.linear.scatter [tilespmem:s20], [sflag:$0x7], $0x6400, $0x38;
	[tilespmem:$0x19640] =	vst v63  }
0x12e: {  	_ =	swait.ge [sflag:s19], $0x6400  }
0x12f: {  	[sflag:s19] =	ssyncset.done $0x0  }
0x130: {  	[sflag:s19] =	ssyncadd.s32 $0xFFFF9C00  }
0x131: {  	_ =	swait.ge [sflag:s18], $0x6400  }
0x132: {  	s30 =	rddreg [dreg:$0x12]  }
0x133: {  	s31 =	rddreg [dreg:$0xe];
	s0 =	sadd.s32 $0x1, s30  }
0x134: {  	p1 =	sne.s32 s0, s31  }
.Ltmp1:
0x135: {  	_ = 	snop;
	(pc) =	sbr.rel @p1 .LBB2_1-.Ltmp1, $3  }
0x136: {  	_ =	sdelay $0x1  }
0x137: {  	[sflag:s18] =	ssyncset.done $0x0  }
0x138: {  	[sflag:s18] =	ssyncadd.s32 $0xFFFF9C00  }
0x139: {  	_ =	sfence.sel $0x180000  }
0x13a: {  	[bflag:$0x0] =	sbarrier.arrive $0xFFFF  }
0x13b: {  	_ =	strace $0x90000047  }
0x13c: {  	[bflag:$0x2] =	sbarrier.arrive $0xFFFF  }
0x13d: {  	s0 =	rddreg [dreg:$0x3]  }
0x13e: {  	s0 =	sadd.s32 @!p0 $0x100000, s0  }
0x13f: {  	[sflag:s0] =	ssyncadd.tile.s32 @!p0 $0x1;
	_ =	shalt  }
.Lfunc_end2:
_tile_overlayer_lowered:
.L_overlay_start_2:
0x140: {  	(tag) =	ssettag $0x2  }
0x141: {  	s0 =	rddreg [dreg:$0x0];
	s2 =	stileid.u32  }
0x142: {  	s1 =	rddreg [dreg:$0x1];
	p0 =	sne.s32 s2, $0x0  }
0x143: {  	s3 =	rddreg [dreg:$0x2];
	[bflag:$0x3] =	sbarrier.arrive $0xFFFF;
	s2 =	simm.s32 @!p0 $0x1C0A  }
0x144: {  	[timem:s3], [sflag:s2] =	dma.local @!p0 [hbm:s0], s1  }
0x145: {  	s0 =	simm.s32 @!p0 $0xA  }
0x146: {  	_ =	swait.ge @!p0 [sflag:s0], s1  }
0x147: {  	s1 =	ssub.s32 @!p0 $0x0, s1;
	[sflag:s0] =	ssyncset.done @!p0 $0x0  }
0x148: {  	[sflag:s0] =	ssyncadd.s32 @!p0 s1  }
0x149: {  	[bflag:$0x3] =	sbarrier.arrive $0xFFFF  }
0x14a: {  	_ =	shalt  }

// kernel: sparse-core-data-format-call.cloned.1.call-start
scs
called_computation_lowered:
.L_overlay_start_0:
0x0: {  	s2 =	sld [smem:$0x3FD9]  }
0x1: {  	s3 =	sld [smem:$0x3FFE];
	_ =	sdelay $0x1  }
0x2: {  	s1 =	srdreg.scid  }
0x3: {  	s0 =	sand.u32 $0x1, s1  }
0x4: {  	s18 =	sshll.u32 s0, $0xA;
	s2 =	sadd.s32 s3, s2  }
0x5: {  	s2 =	sadd.s32 s2, s18  }
0x6: {  	[smem:$0x3FC5] =	sst s2  }
0x7: {  	_ = 	snop  }
0x8: {  	s2 =	sld [smem:$0x3FD0];
	(tm) =	ssettm $0x1  }
0x9: {  	s19 =	sld [smem:$0x3FFB];
	_ =	sdelay $0x3  }
0xa: {  	_ =	strace s19  }
0xb: {  	s3 =	sld [smem:$0x3FFC];
	_ =	sdelay $0x3  }
0xc: {  	_ =	strace s3  }
0xd: {  	s3 =	sld [smem:$0x3FFD];
	_ =	sdelay $0x3  }
0xe: {  	_ =	strace s3  }
0xf: {  	_ =	strace $0x8FFFFFFF  }
0x10: {  	s20 =	sld [smem:$0x3FDB];
	_ =	sdelay $0x1  }
0x11: {  	s4 =	simm.s32 $_scs_section_size  }
0x12: {  	s5 =	simm.s32 $_size__tile_overlayer_lowered;
	s6 =	simm.s32 $_tile_overlayer_lowered  }
0x13: {  	s23 =	simm.s32 $0x1BFF;
	s22 =	sshll.u32 s6, $0x1;
	s3 =	sadd.s32 s4, s20  }
0x14: {  	s7 =	simm.s32 $0x0;
	s21 =	sshll.u32 s5, $0x1;
	s5 =	sadd.s32 s22, s3  }
0x15: {  	[timem:s7], [sflag:s23] =	dma.local [hbm:s5], s21  }
0x16: {  	_ =	swait.ge [sflag:s23], s21  }
0x17: {  	s4 =	ssub.s32 $0x0, s21;
	[sflag:s23] =	ssyncset.done $0x0  }
0x18: {  	[sflag:s23] =	ssyncadd.s32 s4;
	_ =	sdelay $0x1  }
0x19: {  	s24 =	simm.s32 $0x1B8B  }
0x1a: {  	_ =	swait.ge [sflag:s24], $0x1  }
0x1b: {  	[sflag:s24] =	ssyncset.done $0x0  }
0x1c: {  	s26 =	simm.s32 $0x1B8E;
	s25 =	sld [smem:$0x3FFE];
	[sflag:s24] =	ssyncadd.s32 $0xFFFFFFFF  }
0x1d: {  	s27 =	simm.s32 $execute0_lowered;
	[smem:$0x3FD2] =	sst s26  }
0x1e: {  	s5 =	sshll.u32 s27, $0x1;
	_ =	strace $0x80000049;
	[dreg:$0x1] =	wrdreg $0xFFFFFFFF  }
0x1f: {  	s28 =	simm.s32 $_size_execute0_lowered;
	s3 =	sadd.s32 s3, s5;
	[dreg:$0x0] =	wrdreg $0x0  }
0x20: {  	s5 =	sshll.u32 s28, $0x1;
	[dreg:$0x2] =	wrdreg s3  }
0x21: {  	[dreg:$0x3] =	wrdreg s5  }
0x22: {  	[dreg:$0x4] =	wrdreg $0xC0  }
0x23: {  	_ =	task [dreg:s7], $0x5FFFF  }
0x24: {  	[dreg:$0x1] =	wrdreg $0xFFFFFFFF  }
0x25: {  	[dreg:$0x0] =	wrdreg $0x60  }
0x26: {  	[dreg:$0x2] =	wrdreg s25  }
0x27: {  	[dreg:$0x3] =	wrdreg s2  }
0x28: {  	[dreg:$0x4] =	wrdreg $0x9  }
0x29: {  	_ =	task.clear_ibuf [dreg:s7], $0x5FFFF;
	_ =	strace $0x90000049  }
0x2a: {  	s29 =	simm.s32 $0x9;
	_ =	strace $0x8000004B  }
0x2b: {  	_ =	swait.ge [sflag:s29], $0x1  }
0x2c: {  	[sflag:s29] =	ssyncadd.s32 $0xFFFFFFFF  }
0x2d: {  	_ =	strace $0x9000004B  }
0x2e: {  	_ =	sfence  }
0x2f: {  	s30 =	sld [smem:$0x0];
	_ =	sdelay $0x2  }
0x30: {  	s31 =	sshll.u32 s1, $0xD;
	s1 =	sshrl.u32 s1, $0x2  }
0x31: {  	s3 =	sand.u32 $0x4000, s31;
	s1 =	sadd.s32 s1, s30  }
0x32: {  	s0 =	sor.u32 s3, s0;
	s1 =	sshll.u32 s1, $0x11  }
0x33: {  	s0 =	sor.u32 s1, s0  }
0x34: {  	s0 =	sadd.s32 $0x8F2B, s0  }
0x35: {  	[sflag:s0] =	ssyncadd.remote.s32 $0x1  }
0x36: {  	_ =	sfence.sel $0xFFFF  }
0x37: {  	[dreg:$0x0] =	wrdreg $0xFFFFFFFF;
	(pc) =	sbr.abs _section_cstart, $3  }
0x38: {  	[dreg:$0x1] =	wrdreg $0xFFFFFFFF  }
0x39: {  	_ =	task.clear_ibuf [dreg:s7], $0x2FFFF;
	_ =	strace $0x9FFFFFFF  }
0x3a: {  	(tm) =	ssettm $0x7FFFFFFF  }
0x3b: {  	_ =	shalt  }
tec
execute0_lowered:
.L_overlay_start_1:
0x0: {  	(tag) =	ssettag $0x1  }
0x1: {  	s0 =	srdreg.scid  }
0x2: {  	s1 =	sshll.u32 s0, $0x4  }
0x3: {  	s0 =	stileid.u32;
	s1 =	sand.u32 $0x10, s1  }
0x4: {  	s1 =	sor.u32 s0, s1  }
0x5: {  	s6 =	rddreg [dreg:$0x0];
	s4 =	simm.s32 $0x1;
	s2 =	sshll.u32 s1, $0x7  }
0x6: {  	s7 =	simm.s32 $0x2;
	s12 =	simm.s32 $0x0;
	s1 =	ssub.s32 $0x1000, s2  }
0x7: {  	s8 =	simm.s32 $0x8000;
	s13 =	simm.s32 $0x0;
	s3 =	sand.u32 $0xF80, s1  }
0x8: {  	s9 =	simm.s32 $0x0;
	s5 =	sshrl.u32 s1, $0xC;
	p0 =	sne.s32 s3, $0x0  }
.Ltmp0:
0x9: {  	s1 =	rddreg [dreg:$0x2];
	s4 =	simm.s32 @!p0 $0x0;
	(pc) =	sbr.rel .LBB1_1-.Ltmp0, $4  }
0xa: {  	s11 =	simm.s32 $0x0;
	s3 =	rddreg [dreg:$0x1];
	s5 =	sadd.s32 s4, s5  }
0xb: {  	_ =	strace $0x8000004A;
	s4 =	simm.s32 $0x1;
	s5 =	smul.u32 $0xC8, s5  }
0xc: {  	s6 =	sadd.s32 $0xC00, s6;
	s10 =	smov.u32 s2;
	[sflag:s4] =	ssyncpa.u1 $0x0  }
0xd: {  	p0 =	por $0x0, $0x0;
	[sflag:s7] =	ssyncpa.u1 $0x0;
	s7 =	sor.u32 $0x1, s5  }
.LBB1_4:
0xe: {  	s16 =	sshll.u32 s13, $0x3;
	s17 =	sand.u32 $0x78, s13  }
0xf: {  	s30 =	sand.u32 $0x7E00, s13;
	s12 =	sshll.u32 s12, $0xF;
	s16 =	sand.u32 $0xC00, s16  }
0x10: {  	[tilespmem:s15+$0x810 ss:$0x81] =	vst.msk $0xffff, v2;
	s31 =	sand.u32 $0x7, s13;
	s16 =	sor.u32 s17, s16;
	s17 =	sadd.s32 s3, s30  }
0x11: {  	[tilespmem:s15+$0x1020 ss:$0x81] =	vst.msk $0xffff, v0;
	s13 =	sshll.u32 s31, $0x12;
	s12 =	sadd.s32 s12, s17;
	s16 =	sshrl.u32 s16, $0x3  }
0x12: {  	[tilespmem:s15+$0x0 ss:$0x81] =	vst.msk $0xffff, v1;
	s13 =	sor.u32 $0x400, s13;
	s12 =	sadd.s32 s16, s12  }
0x13: {  	[hbm4b:s12+s13] =	stream.strided.scatter [tilespmem:s14], [sflag:$0x2], $0x2000, s8, s13, $0x20;
	[tilespmem:$0x8080] =	vst v63  }
.LBB1_5:
0x14: {  	s14 =	sadd.s32 $0x1, s9  }
0x15: {  	s12 =	sadd.s32 $0x1000, s10;
	s16 =	smov.u32 s10;
	p2 =	sgt.s32 s14, $0xC7  }
0x16: {  	s16 =	smov.u32 @p2 s12  }
0x17: {  	s14 =	simm.s32 @p2 $0x0;
	p2 =	sgt.s32 s16, $0xFFF  }
0x18: {  	s16 =	smov.u32 @p2 s2;
	p2 =	sne.s32 s11, s7  }
.Ltmp1:
0x19: {  	p1 =	slt.u32 s11, $0x2;
	(pc) =	sbr.rel @!p2 .LBB1_6-.Ltmp1, $4  }
0x1a: {  	s15 =	simm.s32 @!p1 $0x2  }
0x1b: {  	s13 =	smov.u32 s10;
	p0 =	por !p0, !p0;
	_ =	swait.ge @!p1 [sflag:s15], $0x2000  }
0x1c: {  	s12 =	smov.u32 s9;
	[sflag:s15] =	ssyncset.done @!p1 $0x0;
	s9 =	smov.u32 s14  }
0x1d: {  	s11 =	sadd.s32 $0x1, s11;
	[sflag:s15] =	ssyncadd.s32 @!p1 $0xFFFFE000;
	s10 =	smov.u32 s16  }
.LBB1_1:
0x1e: {  	p1 =	sge.u32 s11, s5  }
0x1f: {  	s14 =	sand.u32 @!p1 $0x1FFFFFF, s9  }
0x20: {  	s15 =	smulhi.u32 @!p1 $0x147AE15, s14;
	_ =	sdelay $0x1  }
0x21: {  	s15 =	smul.u32 @!p1 $0xC8, s15  }
0x22: {  	s16 =	sxor.u32 @!p1 $0xFFFFFFFF, s11;
	s17 =	smul.u32 @!p1 $0xC80, s10  }
0x23: {  	s31 =	sadd.s32 $0xFFFFFFFF, s11;
	s16 =	sshll.u32 @!p1 s16, $0xD;
	s14 =	ssub.s32 @!p1 s14, s15  }
0x24: {  	s15 =	sand.u32 @!p1 $0x2000, s16;
	s16 =	sadd.s32 @!p1 s6, s17;
	s14 =	sshll.u32 @!p1 s14, $0x4  }
0x25: {  	s17 =	simm.s32 @!p1 $0x6400;
	s14 =	sadd.s32 @!p1 s14, s16;
	s16 =	simm.s32 @!p1 $0x40  }
0x26: {  	[tilespmem:s15], [sflag:$0x1] =	stream.strided.gather @!p1 [hbm4b:s14+s16], $0x2000, s17, s16, $0x38;
	[tilespmem:$0x8080] =	vst v63  }
0x27: {  	p1 =	sge.u32 s31, s5  }
.Ltmp2:
0x28: {  	_ = 	snop;
	(pc) =	sbr.rel @p1 .LBB1_5-.Ltmp2, $1  }
0x29: {  	_ =	sdelay $0x3  }
0x2a: {  	s14 =	simm.s32 $0x1  }
0x2b: {  	_ =	swait.ge [sflag:s4], $0x2000;
	s14 =	simm.s32 @!p0 $0x0  }
0x2c: {  	[sflag:s4] =	ssyncset.done $0x0;
	s15 =	sshll.u32 s14, $0xD  }
0x2d: {  	[sflag:s4] =	ssyncadd.s32 $0xFFFFE000;
	s18 =	sor.u32 $0x20, s15  }
0x2e: {  	s14 =	smul.u32 $0x8100, s14;
	v3 =	vld [tilespmem:s18+$0x10]  }
0x2f: {  	s30 =	sand.u32 $0x1, s11;
	v2 =	vld [tilespmem:s18+$0xFFFFFFF0]  }
0x30: {  	s15 =	smul.u32 $0x8100, s30;
	s14 =	sshrl.u32 s14, $0x2;
	v0 =	vld [tilespmem:s18+$0x0]  }
0x31: {  	v1 =	vld [tilespmem:s18+$0xFFFFFFE0];
	s16 =	sor.u32 $0x4000, s14  }
0x32: {  	s31 =	sshrl.u32 s15, $0x2;
	s15 =	sadd.s32 $0x0, s16  }
0x33: {  	s17 =	simm.s32 $0x4;
	s18 =	sadd.s32 $0x40, s18;
	s14 =	sor.u32 $0x4000, s31;
	[tilespmem:s15+$0x1830 ss:$0x81] =	vst.msk $0xffff, v3  }
.LBB1_3:
0x34: {  	v3 =	vld [tilespmem:s18+$0x10];
	p1 =	sne.s32 s17, $0x1FC;
	[tilespmem:s15+$0x810 ss:$0x81] =	vst.msk $0xffff, v2;
	s19 =	smov.u32 s17;
	s17 =	sadd.s32 $0x4, s17  }
.Ltmp3:
0x35: {  	v2 =	vld [tilespmem:s18+$0xFFFFFFF0];
	[tilespmem:s15+$0x1020 ss:$0x81] =	vst.msk $0xffff, v0;
	(pc) =	sbr.rel @p1 .LBB1_3-.Ltmp3, $4  }
0x36: {  	v0 =	vld [tilespmem:s18+$0x0];
	[tilespmem:s15+$0x0 ss:$0x81] =	vst.msk $0xffff, v1  }
0x37: {  	s15 =	sshra.s32 s19, $0x2;
	v1 =	vld [tilespmem:s18+$0xFFFFFFE0]  }
0x38: {  	s15 =	sadd.s32 s15, s16  }
0x39: {  	s18 =	sadd.s32 $0x40, s18;
	[tilespmem:s15+$0x1830 ss:$0x81] =	vst.msk $0xffff, v3  }
.Ltmp4:
0x3a: {  	_ = 	snop;
	(pc) =	sbr.rel .LBB1_4-.Ltmp4, $1  }
0x3b: {  	_ =	sdelay $0x3  }
.LBB1_6:
0x3c: {  	_ =	sfence.sel $0x180000  }
0x3d: {  	s2 =	simm.s32 $0x1;
	[bflag:$0x0] =	sbarrier.arrive $0xFFFF  }
0x3e: {  	s31 =	simm.s32 $0x2;
	[sflag:s2] =	ssyncpa.u1 $0x1  }
0x3f: {  	[sflag:s31] =	ssyncpa.u1 $0x1  }
0x40: {  	p0 =	sne.s32 s0, $0x0;
	_ =	strace $0x9000004A  }
0x41: {  	s0 =	sadd.s32 @!p0 $0x100000, s1;
	[bflag:$0x2] =	sbarrier.arrive $0xFFFF  }
0x42: {  	[sflag:s0] =	ssyncadd.tile.s32 @!p0 $0x1;
	_ =	shalt  }
.Lfunc_end1:
_tile_overlayer_lowered:
.L_overlay_start_2:
0x43: {  	(tag) =	ssettag $0x2  }
0x44: {  	s0 =	rddreg [dreg:$0x0];
	s2 =	stileid.u32  }
0x45: {  	s1 =	rddreg [dreg:$0x1];
	p0 =	sne.s32 s2, $0x0  }
0x46: {  	s3 =	rddreg [dreg:$0x2];
	[bflag:$0x3] =	sbarrier.arrive $0xFFFF;
	s2 =	simm.s32 @!p0 $0x1C01  }
0x47: {  	[timem:s3], [sflag:s2] =	dma.local @!p0 [hbm:s0], s1  }
0x48: {  	s0 =	simm.s32 @!p0 $0x1  }
0x49: {  	_ =	swait.ge @!p0 [sflag:s0], s1  }
0x4a: {  	s1 =	ssub.s32 @!p0 $0x0, s1;
	[sflag:s0] =	ssyncset.done @!p0 $0x0  }
0x4b: {  	[sflag:s0] =	ssyncadd.s32 @!p0 s1  }
0x4c: {  	[bflag:$0x3] =	sbarrier.arrive $0xFFFF  }
0x4d: {  	_ =	shalt  }

</sc_bundles>
